<compile_context>
chip_gen: v7x
topology: tpu7x:2x2x1
jax: 0.10.2.dev20260603
libtpu: 0.0.44.dev20260713+nightly
codegen_flags: <defaults>
</compile_context>

<pallas_src>
import functools

import jax
import jax.numpy as jnp
from jax import lax
from jax.experimental import pallas as pl
from jax.experimental.pallas import tpu as pltpu
from jax.experimental.pallas import tpu_sc as plsc

_B = 1024
_S = 50
_D = 64
_PCA = 64
_NZ = 3 * _D
_V_SUB = 101
_V_BUS = 21
_V_AREA = 101
_V_MOY = 13
_V_GEN = 5
_V_NAT = 51
_V_SEG = 11
_OUT_W = _D * 5 + _V_SEG
_HIGH = jax.lax.Precision.HIGHEST

_NC = 2
_NS = 16
_NW = _NC * _NS


def _dot(a, b):
    return jnp.dot(a, b, preferred_element_type=jnp.float32)


def _sc_gather(emb_prod, prod_idx, emb_client, client_idx):
    npod = _B * _S
    pw = npod // _NW
    cw = _B // _NW
    chunks = [128] * (pw // 128)
    if pw % 128:
        chunks.append(pw % 128)

    mesh = plsc.VectorSubcoreMesh(core_axis_name="c", subcore_axis_name="s")

    @functools.partial(
        pl.kernel,
        mesh=mesh,
        compiler_params=pltpu.CompilerParams(use_tc_tiling_on_sc=False),
        out_type=[
            jax.ShapeDtypeStruct((npod, _D), jnp.float32),
            jax.ShapeDtypeStruct((_B, _D), jnp.float32),
        ],
        scratch_types=[
            pltpu.VMEM((pw,), jnp.int32),
            pltpu.VMEM((pw, _D), jnp.float32),
            pltpu.VMEM((cw,), jnp.int32),
            pltpu.VMEM((cw, _D), jnp.float32),
            pltpu.SemaphoreType.DMA,
            pltpu.SemaphoreType.DMA,
        ],
    )
    def k(prod_tab, pidx, cli_tab, cidx, out_p, out_c,
          pidx_v, prow_v, cidx_v, crow_v, semp, semc):
        wid = lax.axis_index("s") * _NC + lax.axis_index("c")
        pbase = wid * pw
        cbase = wid * cw
        pltpu.sync_copy(pidx.at[pl.ds(pbase, pw)], pidx_v)
        pltpu.sync_copy(cidx.at[pl.ds(cbase, cw)], cidx_v)
        copies = []
        off = 0
        for n in chunks:
            copies.append(pltpu.async_copy(
                prod_tab.at[pidx_v.at[pl.ds(off, n)]],
                prow_v.at[pl.ds(off, n)], semp))
            off += n
        copies.append(pltpu.async_copy(cli_tab.at[cidx_v], crow_v, semc))
        for c in copies:
            c.wait()
        pltpu.sync_copy(prow_v, out_p.at[pl.ds(pbase, pw)])
        pltpu.sync_copy(crow_v, out_c.at[pl.ds(cbase, cw)])

    return k(emb_prod, prod_idx, emb_client, client_idx)


def _onehot(idx_col, n):
    return (idx_col == lax.broadcasted_iota(jnp.int32, (_B, n), 1)).astype(jnp.float32)




_V_STACK = _V_SUB + _V_BUS + _V_AREA + _V_MOY


def _fuse_body(emb_subcat_ref, emb_bus_ref, emb_area_ref, emb_moy_prev_ref,
               wi_sub_ref, wi_bus_ref, wi_area_ref, wi_moy_ref,
               gender_idx_ref, nat_idx_ref, seg_idx_ref, moyl_idx_ref,
               emb_gender_ref, emb_nat_ref, emb_moy_last_ref,
               stackf_ref, gn_ref, nat_ref, seg_ref, moyl_ref):
    stackf_ref[...] = jnp.concatenate([
        _dot(emb_subcat_ref[...], wi_sub_ref[...]),
        _dot(emb_bus_ref[...], wi_bus_ref[...]),
        _dot(emb_area_ref[...], wi_area_ref[...]),
        _dot(emb_moy_prev_ref[...], wi_moy_ref[...]),
    ], axis=0)
    gn_ref[...] = _dot(_onehot(gender_idx_ref[...], _V_GEN), emb_gender_ref[...])
    nat_ref[...] = _dot(_onehot(nat_idx_ref[...], _V_NAT), emb_nat_ref[...])
    seg_ref[...] = _onehot(seg_idx_ref[...], _V_SEG)
    moyl_ref[...] = _dot(_onehot(moyl_idx_ref[...], _V_MOY), emb_moy_last_ref[...])


def _fuse_call(*ops):
    return pl.pallas_call(
        _fuse_body,
        out_shape=[
            jax.ShapeDtypeStruct((_V_STACK, _NZ), jnp.float32),
            jax.ShapeDtypeStruct((_B, _D), jnp.float32),
            jax.ShapeDtypeStruct((_B, _D), jnp.float32),
            jax.ShapeDtypeStruct((_B, _V_SEG), jnp.float32),
            jax.ShapeDtypeStruct((_B, _D), jnp.float32),
        ],
    )(*ops)




def _gx_body(prod_g_ref, img_ref, sub_idx_ref, bus_idx_ref, area_idx_ref,
             moy_idx_ref, stackf_ref,
             w_pca_ref, b_pca_ref, wi_prod_ref, wi_img_ref, bi_ref,
             gx_ref):
    iota = lax.broadcasted_iota(jnp.int32, (_B, _V_STACK), 1)
    mh = ((sub_idx_ref[0] == iota) |
          (bus_idx_ref[0] + _V_SUB == iota) |
          (area_idx_ref[0] + (_V_SUB + _V_BUS) == iota) |
          (moy_idx_ref[0] + (_V_SUB + _V_BUS + _V_AREA) == iota)
          ).astype(jnp.float32)
    gx = _dot(prod_g_ref[0], wi_prod_ref[...])
    gx += _dot(mh, stackf_ref[...])
    img_e = jnp.maximum(_dot(img_ref[0], w_pca_ref[...]) + b_pca_ref[...], 0.0)
    gx += _dot(img_e, wi_img_ref[...])
    gx += bi_ref[...]
    gx_ref[0] = (gx).astype(jnp.bfloat16)


def _step(i):
    return (i, 0, 0)


_GX_IN_SPECS = [
    pl.BlockSpec((1, _B, _D), _step),
    pl.BlockSpec((1, _B, _PCA), _step),
    pl.BlockSpec((1, _B, 1), _step),
    pl.BlockSpec((1, _B, 1), _step),
    pl.BlockSpec((1, _B, 1), _step),
    pl.BlockSpec((1, _B, 1), _step),
    pl.BlockSpec((_V_STACK, _NZ), lambda i: (0, 0)),
    pl.BlockSpec((_PCA, _D), lambda i: (0, 0)),
    pl.BlockSpec((1, _D), lambda i: (0, 0)),
    pl.BlockSpec((_D, _NZ), lambda i: (0, 0)),
    pl.BlockSpec((_D, _NZ), lambda i: (0, 0)),
    pl.BlockSpec((1, _NZ), lambda i: (0, 0)),
]


def _gx_call(*ops):
    return pl.pallas_call(
        _gx_body,
        grid=(_S,),
        in_specs=_GX_IN_SPECS,
        out_specs=pl.BlockSpec((1, _B, _NZ), _step),
        out_shape=jax.ShapeDtypeStruct((_S, _B, _NZ), jnp.bfloat16),
        compiler_params=pltpu.CompilerParams(
            dimension_semantics=("parallel",)),
    )(*ops)




def _rec_body(gx_ref, ui_ref, bh_ref, client_ref, gn_ref, nat_ref, seg_ref,
              moyl_ref, out_ref, h_ref):
    h_ref[...] = jnp.zeros_like(h_ref)

    def step(i, carry):
        t = jnp.where(i < _S // 2, _S - 1 - i, i)
        gxt = gx_ref[t].astype(jnp.float32)
        h = h_ref[...]
        gh = _dot(h, ui_ref[...]) + bh_ref[...]
        z = jax.nn.sigmoid(gxt[:, 0:_D] + gh[:, 0:_D])
        r = jax.nn.sigmoid(gxt[:, _D:2 * _D] + gh[:, _D:2 * _D])
        hc = jnp.tanh(gxt[:, 2 * _D:3 * _D] + r * gh[:, 2 * _D:3 * _D])
        h_ref[...] = z * h + (1.0 - z) * hc
        return carry

    lax.fori_loop(0, _S, step, 0, unroll=False)

    out_ref[:, 0:_D] = client_ref[...]
    out_ref[:, _D:2 * _D] = gn_ref[...]
    out_ref[:, 2 * _D:3 * _D] = nat_ref[...]
    out_ref[:, 3 * _D:3 * _D + _V_SEG] = seg_ref[...]
    out_ref[:, 3 * _D + _V_SEG:4 * _D + _V_SEG] = moyl_ref[...]
    out_ref[:, 4 * _D + _V_SEG:5 * _D + _V_SEG] = h_ref[...]


def _rec_call(*ops):
    return pl.pallas_call(
        _rec_body,
        out_shape=jax.ShapeDtypeStruct((_B, _OUT_W), jnp.float32),
        scratch_shapes=[pltpu.VMEM((_B, _D), jnp.float32)],
        compiler_params=pltpu.CompilerParams(
            vmem_limit_bytes=56 * 1024 * 1024),
    )(*ops)


def kernel(prev_product_sub_category, prev_product_id,
           prev_product_business_desc, prev_month_of_year, prev_boutique_area,
           image_embedding_pca, client_id, client_gender, client_nationality,
           client_segment, last_month_of_year, emb_client, emb_gender,
           emb_nat, emb_moy_last, emb_moy_prev, emb_prod, emb_subcat,
           emb_bus, emb_area, W_pca, b_pca, gru_Wi, gru_Ui, gru_bi, gru_bh):
    i32 = jnp.int32
    sub_idx = prev_product_sub_category.astype(i32).T.reshape(_S, _B, 1)
    bus_idx = prev_product_business_desc.astype(i32).T.reshape(_S, _B, 1)
    area_idx = prev_boutique_area.astype(i32).T.reshape(_S, _B, 1)
    moy_idx = prev_month_of_year.astype(i32).T.reshape(_S, _B, 1)
    prod_idx_tm = prev_product_id.astype(i32).T.reshape(-1)
    img_t = image_embedding_pca.reshape(_B, _S, _PCA).transpose(1, 0, 2)

    prod_rows, client_rows = _sc_gather(
        emb_prod, prod_idx_tm, emb_client, client_id.astype(i32))
    prod_g = prod_rows.reshape(_S, _B, _D)

    wi_prod = gru_Wi[0:64]
    wi_sub = gru_Wi[64:128]
    wi_bus = gru_Wi[128:132]
    wi_area = gru_Wi[132:196]
    wi_moy = gru_Wi[196:260]
    wi_img = gru_Wi[260:324]

    stackf, gn_e, nat_e, seg_oh, moyl_e = _fuse_call(
        emb_subcat, emb_bus, emb_area, emb_moy_prev,
        wi_sub, wi_bus, wi_area, wi_moy,
        client_gender.astype(i32).reshape(_B, 1),
        client_nationality.astype(i32).reshape(_B, 1),
        client_segment.astype(i32).reshape(_B, 1),
        last_month_of_year.astype(i32).reshape(_B, 1),
        emb_gender, emb_nat, emb_moy_last)

    gx_all = _gx_call(
        prod_g, img_t, sub_idx, bus_idx, area_idx, moy_idx,
        stackf,
        W_pca, b_pca.reshape(1, _D), wi_prod, wi_img,
        gru_bi.reshape(1, _NZ))

    return _rec_call(
        gx_all, gru_Ui, gru_bh.reshape(1, _NZ), client_rows,
        gn_e, nat_e, seg_oh, moyl_e)

# --- scband reference (transcript-rebuilt; emitter-appended) ---
"""Pipeline reference for scband-client-model-48438641164347 (READ-ONLY COPY).

The authoritative reference and input builder live on the scoring server;
editing this copy changes nothing except your own understanding.
"""

import jax, jax.numpy as jnp
import numpy as np

B = 1024; S = 50; D = 64; PCA = 64; D_BUS = 4
V_CLIENT = 100000; V_GENDER = 4; V_NAT = 50; V_SEG = 10; V_MOY = 12; V_BUS = 20; V_AREA = 100; V_PROD = 1000; V_SUBCAT = 100
F = D + D + D_BUS + D + D + D  # 324: prod+subcat+business+area+moy+image


def setup_inputs(seed: int = 0):
    key = jax.random.key(seed)
    ks = jax.random.split(key, 32)
    sc = 0.05
    inp = {}
    inp["prev_product_sub_category"] = jax.random.randint(ks[0], (B, S), 0, V_SUBCAT)
    inp["prev_product_id"] = jax.random.randint(ks[1], (B, S), 0, V_PROD)
    inp["prev_product_business_desc"] = jax.random.randint(ks[2], (B, S), 0, V_BUS)
    inp["prev_month_of_year"] = jax.random.randint(ks[3], (B, S), 0, V_MOY)
    inp["prev_boutique_area"] = jax.random.randint(ks[4], (B, S), 0, V_AREA)
    inp["image_embedding_pca"] = jax.random.normal(ks[5], (B, S * PCA), dtype=jnp.float32)
    inp["client_id"] = jax.random.randint(ks[6], (B,), 0, V_CLIENT)
    inp["client_gender"] = jax.random.randint(ks[7], (B,), 0, V_GENDER)
    inp["client_nationality"] = jax.random.randint(ks[8], (B,), 0, V_NAT)
    inp["client_segment"] = jax.random.randint(ks[9], (B,), 0, V_SEG)
    inp["last_month_of_year"] = jax.random.randint(ks[10], (B,), 0, V_MOY)
    inp["emb_client"] = jax.random.normal(ks[11], (V_CLIENT + 1, D), dtype=jnp.float32) * sc
    inp["emb_gender"] = jax.random.normal(ks[12], (V_GENDER + 1, D), dtype=jnp.float32) * sc
    inp["emb_nat"] = jax.random.normal(ks[13], (V_NAT + 1, D), dtype=jnp.float32) * sc
    inp["emb_moy_last"] = jax.random.normal(ks[14], (V_MOY + 1, D), dtype=jnp.float32) * sc
    inp["emb_moy_prev"] = jax.random.normal(ks[15], (V_MOY + 1, D), dtype=jnp.float32) * sc
    inp["emb_prod"] = jax.random.normal(ks[16], (V_PROD + 1, D), dtype=jnp.float32) * sc
    inp["emb_subcat"] = jax.random.normal(ks[17], (V_SUBCAT + 1, D), dtype=jnp.float32) * sc
    inp["emb_bus"] = jax.random.normal(ks[18], (V_BUS + 1, D_BUS), dtype=jnp.float32) * sc
    inp["emb_area"] = jax.random.normal(ks[19], (V_AREA + 1, D), dtype=jnp.float32) * sc
    inp["W_pca"] = jax.random.normal(ks[20], (PCA, D), dtype=jnp.float32) * sc
    inp["b_pca"] = jnp.zeros((D,), jnp.float32)
    inp["gru_Wi"] = jax.random.normal(ks[21], (F, 3 * D), dtype=jnp.float32) * sc
    inp["gru_Ui"] = jax.random.normal(ks[22], (D, 3 * D), dtype=jnp.float32) * sc
    inp["gru_bi"] = jnp.zeros((3 * D,), jnp.float32)
    inp["gru_bh"] = jnp.zeros((3 * D,), jnp.float32)
    return inp


def _gru_go_backwards(x_seq, Wi, Ui, bi, bh):
    # Keras GRU(units=D, go_backwards=True, reset_after=True), inference (no dropout)
    x_rev = x_seq[:, ::-1, :]
    h0 = jnp.zeros((x_seq.shape[0], Ui.shape[0]), x_seq.dtype)
    def step(h, x_t):
        gx = x_t @ Wi + bi
        gh = h @ Ui + bh
        xz, xr, xh = jnp.split(gx, 3, axis=-1)
        hz, hr, hh = jnp.split(gh, 3, axis=-1)
        z = jax.nn.sigmoid(xz + hz)
        r = jax.nn.sigmoid(xr + hr)
        hc = jnp.tanh(xh + r * hh)
        hn = z * h + (1.0 - z) * hc
        return hn, None
    h_last, _ = jax.lax.scan(step, h0, jnp.transpose(x_rev, (1, 0, 2)))
    return h_last


def reference(prev_product_sub_category, prev_product_id, prev_product_business_desc, prev_month_of_year, prev_boutique_area, image_embedding_pca, client_id, client_gender, client_nationality, client_segment, last_month_of_year, emb_client, emb_gender, emb_nat, emb_moy_last, emb_moy_prev, emb_prod, emb_subcat, emb_bus, emb_area, W_pca, b_pca, gru_Wi, gru_Ui, gru_bi, gru_bh):
    subcat_e = jnp.take(emb_subcat, prev_product_sub_category, axis=0)
    prod_e = jnp.take(emb_prod, prev_product_id, axis=0)
    bus_e = jnp.take(emb_bus, prev_product_business_desc, axis=0)
    moy_prev_e = jnp.take(emb_moy_prev, prev_month_of_year, axis=0)
    area_e = jnp.take(emb_area, prev_boutique_area, axis=0)
    img = image_embedding_pca.reshape(B, S, PCA)
    img_e = jax.nn.relu(img @ W_pca + b_pca)
    seq = jnp.concatenate([prod_e, subcat_e, bus_e, area_e, moy_prev_e, img_e], axis=2)
    gru_out = _gru_go_backwards(seq, gru_Wi, gru_Ui, gru_bi, gru_bh)
    client_e = jnp.take(emb_client, client_id, axis=0)
    gender_e = jnp.take(emb_gender, client_gender, axis=0)
    nat_e = jnp.take(emb_nat, client_nationality, axis=0)
    seg_oh = jax.nn.one_hot(client_segment, V_SEG + 1, dtype=jnp.float32)
    moy_e = jnp.take(emb_moy_last, last_month_of_year, axis=0)
    return jnp.concatenate([client_e, gender_e, nat_e, seg_oh, moy_e, gru_out], axis=1)

if __name__ == "__main__":
    import jax
    _d = setup_inputs()
    print(jax.jit(kernel)(*tuple(_d.values())))

</pallas_src>

<mosaic_0001>
#map = affine_map<(d0, d1) -> (0, 0)>
#map1 = affine_map<(d0, d1) -> (0)>
module attributes {stable_mosaic.version = 14 : i64} {
  func.func @k(%arg0: i32, %arg1: i32, %arg2: memref<1001x64xf32, #tpu.memory_space<hbm>>, %arg3: memref<51200xi32, #tpu.memory_space<hbm>>, %arg4: memref<100001x64xf32, #tpu.memory_space<hbm>>, %arg5: memref<1024xi32, #tpu.memory_space<hbm>>, %arg6: memref<51200x64xf32, #tpu.memory_space<hbm>>, %arg7: memref<1024x64xf32, #tpu.memory_space<hbm>>, %arg8: memref<1600xi32, #tpu.memory_space<vmem>>, %arg9: memref<1600x64xf32, #tpu.memory_space<vmem>>, %arg10: memref<32xi32, #tpu.memory_space<vmem>>, %arg11: memref<32x64xf32, #tpu.memory_space<vmem>>, %arg12: memref<!tpu.dma_semaphore, #tpu.memory_space<semaphore_mem>>, %arg13: memref<!tpu.dma_semaphore, #tpu.memory_space<semaphore_mem>>) attributes {dimension_semantics = [#tpu.dimension_semantics<core_parallel>, #tpu.dimension_semantics<subcore_parallel>], iteration_bounds = array<i64: 2, 16>, scalar_prefetch = 0 : i64, scratch_operands = 6 : i64, tpu.core_type = #tpu.core_type<sc_vector_subcore>, window_params = [{transform_indices = #map}, {transform_indices = #map1}, {transform_indices = #map}, {transform_indices = #map1}, {transform_indices = #map}, {transform_indices = #map}]} {
    %mul3A = arith.constant 2 : i32
    %mul3A_0 = arith.muli %arg1, %mul3A : i32
    %add3A = arith.addi %mul3A_0, %arg0 : i32
    %mul3A_1 = arith.constant 1600 : i32
    %mul3A_2 = arith.muli %add3A, %mul3A_1 : i32
    %mul3A_3 = arith.constant 32 : i32
    %mul3A_4 = arith.muli %add3A, %mul3A_3 : i32
    "tpu.region"() ({
      %run_scoped3A = tpu.sem_alloc : memref<!tpu.dma_semaphore, #tpu.memory_space<semaphore_mem>>
      %dma_start3A_217 = tpu.memref_slice %arg3[%mul3A_2] : memref<51200xi32, #tpu.memory_space<hbm>> -> memref<1600xi32, #tpu.memory_space<hbm>>
      %dma_start3A_218 = tpu.memref_slice %arg3[%mul3A_2] : memref<51200xi32, #tpu.memory_space<hbm>> -> memref<1600xi32, #tpu.memory_space<hbm>>
      tpu.enqueue_dma source(%dma_start3A_218 : memref<1600xi32, #tpu.memory_space<hbm>>) target(%arg8 : memref<1600xi32, #tpu.memory_space<vmem>>) target_semaphore(%run_scoped3A : memref<!tpu.dma_semaphore, #tpu.memory_space<semaphore_mem>>)
      %dma_wait3A_219 = tpu.memref_slice %arg3[%mul3A_2] : memref<51200xi32, #tpu.memory_space<hbm>> -> memref<1600xi32, #tpu.memory_space<hbm>>
      %dma_wait3A_220 = tpu.memref_slice %arg3[%mul3A_2] : memref<51200xi32, #tpu.memory_space<hbm>> -> memref<1600xi32, #tpu.memory_space<hbm>>
      tpu.wait_dma2 semaphore(%run_scoped3A : memref<!tpu.dma_semaphore, #tpu.memory_space<semaphore_mem>>) src(%dma_wait3A_220 : memref<1600xi32, #tpu.memory_space<hbm>>) dst(%arg8 : memref<1600xi32, #tpu.memory_space<vmem>>)
      tpu.yield
    }) : () -> ()
    "tpu.region"() ({
      %run_scoped3A = tpu.sem_alloc : memref<!tpu.dma_semaphore, #tpu.memory_space<semaphore_mem>>
      %dma_start3A_217 = tpu.memref_slice %arg5[%mul3A_4] : memref<1024xi32, #tpu.memory_space<hbm>> -> memref<32xi32, #tpu.memory_space<hbm>>
      %dma_start3A_218 = tpu.memref_slice %arg5[%mul3A_4] : memref<1024xi32, #tpu.memory_space<hbm>> -> memref<32xi32, #tpu.memory_space<hbm>>
      tpu.enqueue_dma source(%dma_start3A_218 : memref<32xi32, #tpu.memory_space<hbm>>) target(%arg10 : memref<32xi32, #tpu.memory_space<vmem>>) target_semaphore(%run_scoped3A : memref<!tpu.dma_semaphore, #tpu.memory_space<semaphore_mem>>)
      %dma_wait3A_219 = tpu.memref_slice %arg5[%mul3A_4] : memref<1024xi32, #tpu.memory_space<hbm>> -> memref<32xi32, #tpu.memory_space<hbm>>
      %dma_wait3A_220 = tpu.memref_slice %arg5[%mul3A_4] : memref<1024xi32, #tpu.memory_space<hbm>> -> memref<32xi32, #tpu.memory_space<hbm>>
      tpu.wait_dma2 semaphore(%run_scoped3A : memref<!tpu.dma_semaphore, #tpu.memory_space<semaphore_mem>>) src(%dma_wait3A_220 : memref<32xi32, #tpu.memory_space<hbm>>) dst(%arg10 : memref<32xi32, #tpu.memory_space<vmem>>)
      tpu.yield
    }) : () -> ()
    %dma_start3A = arith.constant 0 : i32
    %dma_start3A_5 = arith.constant 0 : i32
    %dma_start3A_6 = tpu.memref_slice %arg9[%dma_start3A, %dma_start3A_5] : memref<1600x64xf32, #tpu.memory_space<vmem>> -> memref<128x64xf32, #tpu.memory_space<vmem>>
    %dma_start3A_7 = arith.constant 0 : i32
    %dma_start3A_8 = tpu.memref_slice %arg8[%dma_start3A_7] : memref<1600xi32, #tpu.memory_space<vmem>> -> memref<128xi32, #tpu.memory_space<vmem>>
    %dma_start3A_9 = arith.constant 0 : i32
    %dma_start3A_10 = arith.constant 0 : i32
    %dma_start3A_11 = tpu.memref_slice %arg2[%dma_start3A_9, %dma_start3A_10] : memref<1001x64xf32, #tpu.memory_space<hbm>> -> memref<1001x64xf32, #tpu.memory_space<hbm>>
    tpu.enqueue_indirect_dma source(%dma_start3A_11 : memref<1001x64xf32, #tpu.memory_space<hbm>>) target(%dma_start3A_6 : memref<128x64xf32, #tpu.memory_space<vmem>>) offsets(%dma_start3A_8 : memref<128xi32, #tpu.memory_space<vmem>>) semaphore(%arg12 : memref<!tpu.dma_semaphore, #tpu.memory_space<semaphore_mem>>)
    %dma_start3A_12 = arith.constant 128 : i32
    %dma_start3A_13 = arith.constant 0 : i32
    %dma_start3A_14 = tpu.memref_slice %arg9[%dma_start3A_12, %dma_start3A_13] : memref<1600x64xf32, #tpu.memory_space<vmem>> -> memref<128x64xf32, #tpu.memory_space<vmem>>
    %dma_start3A_15 = arith.constant 128 : i32
    %dma_start3A_16 = tpu.memref_slice %arg8[%dma_start3A_15] : memref<1600xi32, #tpu.memory_space<vmem>> -> memref<128xi32, #tpu.memory_space<vmem>>
    %dma_start3A_17 = arith.constant 0 : i32
    %dma_start3A_18 = arith.constant 0 : i32
    %dma_start3A_19 = tpu.memref_slice %arg2[%dma_start3A_17, %dma_start3A_18] : memref<1001x64xf32, #tpu.memory_space<hbm>> -> memref<1001x64xf32, #tpu.memory_space<hbm>>
    tpu.enqueue_indirect_dma source(%dma_start3A_19 : memref<1001x64xf32, #tpu.memory_space<hbm>>) target(%dma_start3A_14 : memref<128x64xf32, #tpu.memory_space<vmem>>) offsets(%dma_start3A_16 : memref<128xi32, #tpu.memory_space<vmem>>) semaphore(%arg12 : memref<!tpu.dma_semaphore, #tpu.memory_space<semaphore_mem>>)
    %dma_start3A_20 = arith.constant 256 : i32
    %dma_start3A_21 = arith.constant 0 : i32
    %dma_start3A_22 = tpu.memref_slice %arg9[%dma_start3A_20, %dma_start3A_21] : memref<1600x64xf32, #tpu.memory_space<vmem>> -> memref<128x64xf32, #tpu.memory_space<vmem>>
    %dma_start3A_23 = arith.constant 256 : i32
    %dma_start3A_24 = tpu.memref_slice %arg8[%dma_start3A_23] : memref<1600xi32, #tpu.memory_space<vmem>> -> memref<128xi32, #tpu.memory_space<vmem>>
    %dma_start3A_25 = arith.constant 0 : i32
    %dma_start3A_26 = arith.constant 0 : i32
    %dma_start3A_27 = tpu.memref_slice %arg2[%dma_start3A_25, %dma_start3A_26] : memref<1001x64xf32, #tpu.memory_space<hbm>> -> memref<1001x64xf32, #tpu.memory_space<hbm>>
    tpu.enqueue_indirect_dma source(%dma_start3A_27 : memref<1001x64xf32, #tpu.memory_space<hbm>>) target(%dma_start3A_22 : memref<128x64xf32, #tpu.memory_space<vmem>>) offsets(%dma_start3A_24 : memref<128xi32, #tpu.memory_space<vmem>>) semaphore(%arg12 : memref<!tpu.dma_semaphore, #tpu.memory_space<semaphore_mem>>)
    %dma_start3A_28 = arith.constant 384 : i32
    %dma_start3A_29 = arith.constant 0 : i32
    %dma_start3A_30 = tpu.memref_slice %arg9[%dma_start3A_28, %dma_start3A_29] : memref<1600x64xf32, #tpu.memory_space<vmem>> -> memref<128x64xf32, #tpu.memory_space<vmem>>
    %dma_start3A_31 = arith.constant 384 : i32
    %dma_start3A_32 = tpu.memref_slice %arg8[%dma_start3A_31] : memref<1600xi32, #tpu.memory_space<vmem>> -> memref<128xi32, #tpu.memory_space<vmem>>
    %dma_start3A_33 = arith.constant 0 : i32
    %dma_start3A_34 = arith.constant 0 : i32
    %dma_start3A_35 = tpu.memref_slice %arg2[%dma_start3A_33, %dma_start3A_34] : memref<1001x64xf32, #tpu.memory_space<hbm>> -> memref<1001x64xf32, #tpu.memory_space<hbm>>
    tpu.enqueue_indirect_dma source(%dma_start3A_35 : memref<1001x64xf32, #tpu.memory_space<hbm>>) target(%dma_start3A_30 : memref<128x64xf32, #tpu.memory_space<vmem>>) offsets(%dma_start3A_32 : memref<128xi32, #tpu.memory_space<vmem>>) semaphore(%arg12 : memref<!tpu.dma_semaphore, #tpu.memory_space<semaphore_mem>>)
    %dma_start3A_36 = arith.constant 512 : i32
    %dma_start3A_37 = arith.constant 0 : i32
    %dma_start3A_38 = tpu.memref_slice %arg9[%dma_start3A_36, %dma_start3A_37] : memref<1600x64xf32, #tpu.memory_space<vmem>> -> memref<128x64xf32, #tpu.memory_space<vmem>>
    %dma_start3A_39 = arith.constant 512 : i32
    %dma_start3A_40 = tpu.memref_slice %arg8[%dma_start3A_39] : memref<1600xi32, #tpu.memory_space<vmem>> -> memref<128xi32, #tpu.memory_space<vmem>>
    %dma_start3A_41 = arith.constant 0 : i32
    %dma_start3A_42 = arith.constant 0 : i32
    %dma_start3A_43 = tpu.memref_slice %arg2[%dma_start3A_41, %dma_start3A_42] : memref<1001x64xf32, #tpu.memory_space<hbm>> -> memref<1001x64xf32, #tpu.memory_space<hbm>>
    tpu.enqueue_indirect_dma source(%dma_start3A_43 : memref<1001x64xf32, #tpu.memory_space<hbm>>) target(%dma_start3A_38 : memref<128x64xf32, #tpu.memory_space<vmem>>) offsets(%dma_start3A_40 : memref<128xi32, #tpu.memory_space<vmem>>) semaphore(%arg12 : memref<!tpu.dma_semaphore, #tpu.memory_space<semaphore_mem>>)
    %dma_start3A_44 = arith.constant 640 : i32
    %dma_start3A_45 = arith.constant 0 : i32
    %dma_start3A_46 = tpu.memref_slice %arg9[%dma_start3A_44, %dma_start3A_45] : memref<1600x64xf32, #tpu.memory_space<vmem>> -> memref<128x64xf32, #tpu.memory_space<vmem>>
    %dma_start3A_47 = arith.constant 640 : i32
    %dma_start3A_48 = tpu.memref_slice %arg8[%dma_start3A_47] : memref<1600xi32, #tpu.memory_space<vmem>> -> memref<128xi32, #tpu.memory_space<vmem>>
    %dma_start3A_49 = arith.constant 0 : i32
    %dma_start3A_50 = arith.constant 0 : i32
    %dma_start3A_51 = tpu.memref_slice %arg2[%dma_start3A_49, %dma_start3A_50] : memref<1001x64xf32, #tpu.memory_space<hbm>> -> memref<1001x64xf32, #tpu.memory_space<hbm>>
    tpu.enqueue_indirect_dma source(%dma_start3A_51 : memref<1001x64xf32, #tpu.memory_space<hbm>>) target(%dma_start3A_46 : memref<128x64xf32, #tpu.memory_space<vmem>>) offsets(%dma_start3A_48 : memref<128xi32, #tpu.memory_space<vmem>>) semaphore(%arg12 : memref<!tpu.dma_semaphore, #tpu.memory_space<semaphore_mem>>)
    %dma_start3A_52 = arith.constant 768 : i32
    %dma_start3A_53 = arith.constant 0 : i32
    %dma_start3A_54 = tpu.memref_slice %arg9[%dma_start3A_52, %dma_start3A_53] : memref<1600x64xf32, #tpu.memory_space<vmem>> -> memref<128x64xf32, #tpu.memory_space<vmem>>
    %dma_start3A_55 = arith.constant 768 : i32
    %dma_start3A_56 = tpu.memref_slice %arg8[%dma_start3A_55] : memref<1600xi32, #tpu.memory_space<vmem>> -> memref<128xi32, #tpu.memory_space<vmem>>
    %dma_start3A_57 = arith.constant 0 : i32
    %dma_start3A_58 = arith.constant 0 : i32
    %dma_start3A_59 = tpu.memref_slice %arg2[%dma_start3A_57, %dma_start3A_58] : memref<1001x64xf32, #tpu.memory_space<hbm>> -> memref<1001x64xf32, #tpu.memory_space<hbm>>
    tpu.enqueue_indirect_dma source(%dma_start3A_59 : memref<1001x64xf32, #tpu.memory_space<hbm>>) target(%dma_start3A_54 : memref<128x64xf32, #tpu.memory_space<vmem>>) offsets(%dma_start3A_56 : memref<128xi32, #tpu.memory_space<vmem>>) semaphore(%arg12 : memref<!tpu.dma_semaphore, #tpu.memory_space<semaphore_mem>>)
    %dma_start3A_60 = arith.constant 896 : i32
    %dma_start3A_61 = arith.constant 0 : i32
    %dma_start3A_62 = tpu.memref_slice %arg9[%dma_start3A_60, %dma_start3A_61] : memref<1600x64xf32, #tpu.memory_space<vmem>> -> memref<128x64xf32, #tpu.memory_space<vmem>>
    %dma_start3A_63 = arith.constant 896 : i32
    %dma_start3A_64 = tpu.memref_slice %arg8[%dma_start3A_63] : memref<1600xi32, #tpu.memory_space<vmem>> -> memref<128xi32, #tpu.memory_space<vmem>>
    %dma_start3A_65 = arith.constant 0 : i32
    %dma_start3A_66 = arith.constant 0 : i32
    %dma_start3A_67 = tpu.memref_slice %arg2[%dma_start3A_65, %dma_start3A_66] : memref<1001x64xf32, #tpu.memory_space<hbm>> -> memref<1001x64xf32, #tpu.memory_space<hbm>>
    tpu.enqueue_indirect_dma source(%dma_start3A_67 : memref<1001x64xf32, #tpu.memory_space<hbm>>) target(%dma_start3A_62 : memref<128x64xf32, #tpu.memory_space<vmem>>) offsets(%dma_start3A_64 : memref<128xi32, #tpu.memory_space<vmem>>) semaphore(%arg12 : memref<!tpu.dma_semaphore, #tpu.memory_space<semaphore_mem>>)
    %dma_start3A_68 = arith.constant 1024 : i32
    %dma_start3A_69 = arith.constant 0 : i32
    %dma_start3A_70 = tpu.memref_slice %arg9[%dma_start3A_68, %dma_start3A_69] : memref<1600x64xf32, #tpu.memory_space<vmem>> -> memref<128x64xf32, #tpu.memory_space<vmem>>
    %dma_start3A_71 = arith.constant 1024 : i32
    %dma_start3A_72 = tpu.memref_slice %arg8[%dma_start3A_71] : memref<1600xi32, #tpu.memory_space<vmem>> -> memref<128xi32, #tpu.memory_space<vmem>>
    %dma_start3A_73 = arith.constant 0 : i32
    %dma_start3A_74 = arith.constant 0 : i32
    %dma_start3A_75 = tpu.memref_slice %arg2[%dma_start3A_73, %dma_start3A_74] : memref<1001x64xf32, #tpu.memory_space<hbm>> -> memref<1001x64xf32, #tpu.memory_space<hbm>>
    tpu.enqueue_indirect_dma source(%dma_start3A_75 : memref<1001x64xf32, #tpu.memory_space<hbm>>) target(%dma_start3A_70 : memref<128x64xf32, #tpu.memory_space<vmem>>) offsets(%dma_start3A_72 : memref<128xi32, #tpu.memory_space<vmem>>) semaphore(%arg12 : memref<!tpu.dma_semaphore, #tpu.memory_space<semaphore_mem>>)
    %dma_start3A_76 = arith.constant 1152 : i32
    %dma_start3A_77 = arith.constant 0 : i32
    %dma_start3A_78 = tpu.memref_slice %arg9[%dma_start3A_76, %dma_start3A_77] : memref<1600x64xf32, #tpu.memory_space<vmem>> -> memref<128x64xf32, #tpu.memory_space<vmem>>
    %dma_start3A_79 = arith.constant 1152 : i32
    %dma_start3A_80 = tpu.memref_slice %arg8[%dma_start3A_79] : memref<1600xi32, #tpu.memory_space<vmem>> -> memref<128xi32, #tpu.memory_space<vmem>>
    %dma_start3A_81 = arith.constant 0 : i32
    %dma_start3A_82 = arith.constant 0 : i32
    %dma_start3A_83 = tpu.memref_slice %arg2[%dma_start3A_81, %dma_start3A_82] : memref<1001x64xf32, #tpu.memory_space<hbm>> -> memref<1001x64xf32, #tpu.memory_space<hbm>>
    tpu.enqueue_indirect_dma source(%dma_start3A_83 : memref<1001x64xf32, #tpu.memory_space<hbm>>) target(%dma_start3A_78 : memref<128x64xf32, #tpu.memory_space<vmem>>) offsets(%dma_start3A_80 : memref<128xi32, #tpu.memory_space<vmem>>) semaphore(%arg12 : memref<!tpu.dma_semaphore, #tpu.memory_space<semaphore_mem>>)
    %dma_start3A_84 = arith.constant 1280 : i32
    %dma_start3A_85 = arith.constant 0 : i32
    %dma_start3A_86 = tpu.memref_slice %arg9[%dma_start3A_84, %dma_start3A_85] : memref<1600x64xf32, #tpu.memory_space<vmem>> -> memref<128x64xf32, #tpu.memory_space<vmem>>
    %dma_start3A_87 = arith.constant 1280 : i32
    %dma_start3A_88 = tpu.memref_slice %arg8[%dma_start3A_87] : memref<1600xi32, #tpu.memory_space<vmem>> -> memref<128xi32, #tpu.memory_space<vmem>>
    %dma_start3A_89 = arith.constant 0 : i32
    %dma_start3A_90 = arith.constant 0 : i32
    %dma_start3A_91 = tpu.memref_slice %arg2[%dma_start3A_89, %dma_start3A_90] : memref<1001x64xf32, #tpu.memory_space<hbm>> -> memref<1001x64xf32, #tpu.memory_space<hbm>>
    tpu.enqueue_indirect_dma source(%dma_start3A_91 : memref<1001x64xf32, #tpu.memory_space<hbm>>) target(%dma_start3A_86 : memref<128x64xf32, #tpu.memory_space<vmem>>) offsets(%dma_start3A_88 : memref<128xi32, #tpu.memory_space<vmem>>) semaphore(%arg12 : memref<!tpu.dma_semaphore, #tpu.memory_space<semaphore_mem>>)
    %dma_start3A_92 = arith.constant 1408 : i32
    %dma_start3A_93 = arith.constant 0 : i32
    %dma_start3A_94 = tpu.memref_slice %arg9[%dma_start3A_92, %dma_start3A_93] : memref<1600x64xf32, #tpu.memory_space<vmem>> -> memref<128x64xf32, #tpu.memory_space<vmem>>
    %dma_start3A_95 = arith.constant 1408 : i32
    %dma_start3A_96 = tpu.memref_slice %arg8[%dma_start3A_95] : memref<1600xi32, #tpu.memory_space<vmem>> -> memref<128xi32, #tpu.memory_space<vmem>>
    %dma_start3A_97 = arith.constant 0 : i32
    %dma_start3A_98 = arith.constant 0 : i32
    %dma_start3A_99 = tpu.memref_slice %arg2[%dma_start3A_97, %dma_start3A_98] : memref<1001x64xf32, #tpu.memory_space<hbm>> -> memref<1001x64xf32, #tpu.memory_space<hbm>>
    tpu.enqueue_indirect_dma source(%dma_start3A_99 : memref<1001x64xf32, #tpu.memory_space<hbm>>) target(%dma_start3A_94 : memref<128x64xf32, #tpu.memory_space<vmem>>) offsets(%dma_start3A_96 : memref<128xi32, #tpu.memory_space<vmem>>) semaphore(%arg12 : memref<!tpu.dma_semaphore, #tpu.memory_space<semaphore_mem>>)
    %dma_start3A_100 = arith.constant 1536 : i32
    %dma_start3A_101 = arith.constant 0 : i32
    %dma_start3A_102 = tpu.memref_slice %arg9[%dma_start3A_100, %dma_start3A_101] : memref<1600x64xf32, #tpu.memory_space<vmem>> -> memref<64x64xf32, #tpu.memory_space<vmem>>
    %dma_start3A_103 = arith.constant 1536 : i32
    %dma_start3A_104 = tpu.memref_slice %arg8[%dma_start3A_103] : memref<1600xi32, #tpu.memory_space<vmem>> -> memref<64xi32, #tpu.memory_space<vmem>>
    %dma_start3A_105 = arith.constant 0 : i32
    %dma_start3A_106 = arith.constant 0 : i32
    %dma_start3A_107 = tpu.memref_slice %arg2[%dma_start3A_105, %dma_start3A_106] : memref<1001x64xf32, #tpu.memory_space<hbm>> -> memref<1001x64xf32, #tpu.memory_space<hbm>>
    tpu.enqueue_indirect_dma source(%dma_start3A_107 : memref<1001x64xf32, #tpu.memory_space<hbm>>) target(%dma_start3A_102 : memref<64x64xf32, #tpu.memory_space<vmem>>) offsets(%dma_start3A_104 : memref<64xi32, #tpu.memory_space<vmem>>) semaphore(%arg12 : memref<!tpu.dma_semaphore, #tpu.memory_space<semaphore_mem>>)
    %dma_start3A_108 = arith.constant 0 : i32
    %dma_start3A_109 = arith.constant 0 : i32
    %dma_start3A_110 = tpu.memref_slice %arg4[%dma_start3A_108, %dma_start3A_109] : memref<100001x64xf32, #tpu.memory_space<hbm>> -> memref<100001x64xf32, #tpu.memory_space<hbm>>
    tpu.enqueue_indirect_dma source(%dma_start3A_110 : memref<100001x64xf32, #tpu.memory_space<hbm>>) target(%arg11 : memref<32x64xf32, #tpu.memory_space<vmem>>) offsets(%arg10 : memref<32xi32, #tpu.memory_space<vmem>>) semaphore(%arg13 : memref<!tpu.dma_semaphore, #tpu.memory_space<semaphore_mem>>)
    %dma_wait3A = arith.constant 0 : i32
    %dma_wait3A_111 = arith.constant 0 : i32
    %dma_wait3A_112 = tpu.memref_slice %arg9[%dma_wait3A, %dma_wait3A_111] : memref<1600x64xf32, #tpu.memory_space<vmem>> -> memref<128x64xf32, #tpu.memory_space<vmem>>
    %dma_wait3A_113 = arith.constant 0 : i32
    %dma_wait3A_114 = tpu.memref_slice %arg8[%dma_wait3A_113] : memref<1600xi32, #tpu.memory_space<vmem>> -> memref<128xi32, #tpu.memory_space<vmem>>
    %dma_wait3A_115 = arith.constant 0 : i32
    %dma_wait3A_116 = arith.constant 0 : i32
    %dma_wait3A_117 = tpu.memref_slice %arg2[%dma_wait3A_115, %dma_wait3A_116] : memref<1001x64xf32, #tpu.memory_space<hbm>> -> memref<1001x64xf32, #tpu.memory_space<hbm>>
    tpu.wait_indirect_dma semaphore(%arg12 : memref<!tpu.dma_semaphore, #tpu.memory_space<semaphore_mem>>) src(%dma_wait3A_117 : memref<1001x64xf32, #tpu.memory_space<hbm>>) dst(%dma_wait3A_112 : memref<128x64xf32, #tpu.memory_space<vmem>>)
    %dma_wait3A_118 = arith.constant 128 : i32
    %dma_wait3A_119 = arith.constant 0 : i32
    %dma_wait3A_120 = tpu.memref_slice %arg9[%dma_wait3A_118, %dma_wait3A_119] : memref<1600x64xf32, #tpu.memory_space<vmem>> -> memref<128x64xf32, #tpu.memory_space<vmem>>
    %dma_wait3A_121 = arith.constant 128 : i32
    %dma_wait3A_122 = tpu.memref_slice %arg8[%dma_wait3A_121] : memref<1600xi32, #tpu.memory_space<vmem>> -> memref<128xi32, #tpu.memory_space<vmem>>
    %dma_wait3A_123 = arith.constant 0 : i32
    %dma_wait3A_124 = arith.constant 0 : i32
    %dma_wait3A_125 = tpu.memref_slice %arg2[%dma_wait3A_123, %dma_wait3A_124] : memref<1001x64xf32, #tpu.memory_space<hbm>> -> memref<1001x64xf32, #tpu.memory_space<hbm>>
    tpu.wait_indirect_dma semaphore(%arg12 : memref<!tpu.dma_semaphore, #tpu.memory_space<semaphore_mem>>) src(%dma_wait3A_125 : memref<1001x64xf32, #tpu.memory_space<hbm>>) dst(%dma_wait3A_120 : memref<128x64xf32, #tpu.memory_space<vmem>>)
    %dma_wait3A_126 = arith.constant 256 : i32
    %dma_wait3A_127 = arith.constant 0 : i32
    %dma_wait3A_128 = tpu.memref_slice %arg9[%dma_wait3A_126, %dma_wait3A_127] : memref<1600x64xf32, #tpu.memory_space<vmem>> -> memref<128x64xf32, #tpu.memory_space<vmem>>
    %dma_wait3A_129 = arith.constant 256 : i32
    %dma_wait3A_130 = tpu.memref_slice %arg8[%dma_wait3A_129] : memref<1600xi32, #tpu.memory_space<vmem>> -> memref<128xi32, #tpu.memory_space<vmem>>
    %dma_wait3A_131 = arith.constant 0 : i32
    %dma_wait3A_132 = arith.constant 0 : i32
    %dma_wait3A_133 = tpu.memref_slice %arg2[%dma_wait3A_131, %dma_wait3A_132] : memref<1001x64xf32, #tpu.memory_space<hbm>> -> memref<1001x64xf32, #tpu.memory_space<hbm>>
    tpu.wait_indirect_dma semaphore(%arg12 : memref<!tpu.dma_semaphore, #tpu.memory_space<semaphore_mem>>) src(%dma_wait3A_133 : memref<1001x64xf32, #tpu.memory_space<hbm>>) dst(%dma_wait3A_128 : memref<128x64xf32, #tpu.memory_space<vmem>>)
    %dma_wait3A_134 = arith.constant 384 : i32
    %dma_wait3A_135 = arith.constant 0 : i32
    %dma_wait3A_136 = tpu.memref_slice %arg9[%dma_wait3A_134, %dma_wait3A_135] : memref<1600x64xf32, #tpu.memory_space<vmem>> -> memref<128x64xf32, #tpu.memory_space<vmem>>
    %dma_wait3A_137 = arith.constant 384 : i32
    %dma_wait3A_138 = tpu.memref_slice %arg8[%dma_wait3A_137] : memref<1600xi32, #tpu.memory_space<vmem>> -> memref<128xi32, #tpu.memory_space<vmem>>
    %dma_wait3A_139 = arith.constant 0 : i32
    %dma_wait3A_140 = arith.constant 0 : i32
    %dma_wait3A_141 = tpu.memref_slice %arg2[%dma_wait3A_139, %dma_wait3A_140] : memref<1001x64xf32, #tpu.memory_space<hbm>> -> memref<1001x64xf32, #tpu.memory_space<hbm>>
    tpu.wait_indirect_dma semaphore(%arg12 : memref<!tpu.dma_semaphore, #tpu.memory_space<semaphore_mem>>) src(%dma_wait3A_141 : memref<1001x64xf32, #tpu.memory_space<hbm>>) dst(%dma_wait3A_136 : memref<128x64xf32, #tpu.memory_space<vmem>>)
    %dma_wait3A_142 = arith.constant 512 : i32
    %dma_wait3A_143 = arith.constant 0 : i32
    %dma_wait3A_144 = tpu.memref_slice %arg9[%dma_wait3A_142, %dma_wait3A_143] : memref<1600x64xf32, #tpu.memory_space<vmem>> -> memref<128x64xf32, #tpu.memory_space<vmem>>
    %dma_wait3A_145 = arith.constant 512 : i32
    %dma_wait3A_146 = tpu.memref_slice %arg8[%dma_wait3A_145] : memref<1600xi32, #tpu.memory_space<vmem>> -> memref<128xi32, #tpu.memory_space<vmem>>
    %dma_wait3A_147 = arith.constant 0 : i32
    %dma_wait3A_148 = arith.constant 0 : i32
    %dma_wait3A_149 = tpu.memref_slice %arg2[%dma_wait3A_147, %dma_wait3A_148] : memref<1001x64xf32, #tpu.memory_space<hbm>> -> memref<1001x64xf32, #tpu.memory_space<hbm>>
    tpu.wait_indirect_dma semaphore(%arg12 : memref<!tpu.dma_semaphore, #tpu.memory_space<semaphore_mem>>) src(%dma_wait3A_149 : memref<1001x64xf32, #tpu.memory_space<hbm>>) dst(%dma_wait3A_144 : memref<128x64xf32, #tpu.memory_space<vmem>>)
    %dma_wait3A_150 = arith.constant 640 : i32
    %dma_wait3A_151 = arith.constant 0 : i32
    %dma_wait3A_152 = tpu.memref_slice %arg9[%dma_wait3A_150, %dma_wait3A_151] : memref<1600x64xf32, #tpu.memory_space<vmem>> -> memref<128x64xf32, #tpu.memory_space<vmem>>
    %dma_wait3A_153 = arith.constant 640 : i32
    %dma_wait3A_154 = tpu.memref_slice %arg8[%dma_wait3A_153] : memref<1600xi32, #tpu.memory_space<vmem>> -> memref<128xi32, #tpu.memory_space<vmem>>
    %dma_wait3A_155 = arith.constant 0 : i32
    %dma_wait3A_156 = arith.constant 0 : i32
    %dma_wait3A_157 = tpu.memref_slice %arg2[%dma_wait3A_155, %dma_wait3A_156] : memref<1001x64xf32, #tpu.memory_space<hbm>> -> memref<1001x64xf32, #tpu.memory_space<hbm>>
    tpu.wait_indirect_dma semaphore(%arg12 : memref<!tpu.dma_semaphore, #tpu.memory_space<semaphore_mem>>) src(%dma_wait3A_157 : memref<1001x64xf32, #tpu.memory_space<hbm>>) dst(%dma_wait3A_152 : memref<128x64xf32, #tpu.memory_space<vmem>>)
    %dma_wait3A_158 = arith.constant 768 : i32
    %dma_wait3A_159 = arith.constant 0 : i32
    %dma_wait3A_160 = tpu.memref_slice %arg9[%dma_wait3A_158, %dma_wait3A_159] : memref<1600x64xf32, #tpu.memory_space<vmem>> -> memref<128x64xf32, #tpu.memory_space<vmem>>
    %dma_wait3A_161 = arith.constant 768 : i32
    %dma_wait3A_162 = tpu.memref_slice %arg8[%dma_wait3A_161] : memref<1600xi32, #tpu.memory_space<vmem>> -> memref<128xi32, #tpu.memory_space<vmem>>
    %dma_wait3A_163 = arith.constant 0 : i32
    %dma_wait3A_164 = arith.constant 0 : i32
    %dma_wait3A_165 = tpu.memref_slice %arg2[%dma_wait3A_163, %dma_wait3A_164] : memref<1001x64xf32, #tpu.memory_space<hbm>> -> memref<1001x64xf32, #tpu.memory_space<hbm>>
    tpu.wait_indirect_dma semaphore(%arg12 : memref<!tpu.dma_semaphore, #tpu.memory_space<semaphore_mem>>) src(%dma_wait3A_165 : memref<1001x64xf32, #tpu.memory_space<hbm>>) dst(%dma_wait3A_160 : memref<128x64xf32, #tpu.memory_space<vmem>>)
    %dma_wait3A_166 = arith.constant 896 : i32
    %dma_wait3A_167 = arith.constant 0 : i32
    %dma_wait3A_168 = tpu.memref_slice %arg9[%dma_wait3A_166, %dma_wait3A_167] : memref<1600x64xf32, #tpu.memory_space<vmem>> -> memref<128x64xf32, #tpu.memory_space<vmem>>
    %dma_wait3A_169 = arith.constant 896 : i32
    %dma_wait3A_170 = tpu.memref_slice %arg8[%dma_wait3A_169] : memref<1600xi32, #tpu.memory_space<vmem>> -> memref<128xi32, #tpu.memory_space<vmem>>
    %dma_wait3A_171 = arith.constant 0 : i32
    %dma_wait3A_172 = arith.constant 0 : i32
    %dma_wait3A_173 = tpu.memref_slice %arg2[%dma_wait3A_171, %dma_wait3A_172] : memref<1001x64xf32, #tpu.memory_space<hbm>> -> memref<1001x64xf32, #tpu.memory_space<hbm>>
    tpu.wait_indirect_dma semaphore(%arg12 : memref<!tpu.dma_semaphore, #tpu.memory_space<semaphore_mem>>) src(%dma_wait3A_173 : memref<1001x64xf32, #tpu.memory_space<hbm>>) dst(%dma_wait3A_168 : memref<128x64xf32, #tpu.memory_space<vmem>>)
    %dma_wait3A_174 = arith.constant 1024 : i32
    %dma_wait3A_175 = arith.constant 0 : i32
    %dma_wait3A_176 = tpu.memref_slice %arg9[%dma_wait3A_174, %dma_wait3A_175] : memref<1600x64xf32, #tpu.memory_space<vmem>> -> memref<128x64xf32, #tpu.memory_space<vmem>>
    %dma_wait3A_177 = arith.constant 1024 : i32
    %dma_wait3A_178 = tpu.memref_slice %arg8[%dma_wait3A_177] : memref<1600xi32, #tpu.memory_space<vmem>> -> memref<128xi32, #tpu.memory_space<vmem>>
    %dma_wait3A_179 = arith.constant 0 : i32
    %dma_wait3A_180 = arith.constant 0 : i32
    %dma_wait3A_181 = tpu.memref_slice %arg2[%dma_wait3A_179, %dma_wait3A_180] : memref<1001x64xf32, #tpu.memory_space<hbm>> -> memref<1001x64xf32, #tpu.memory_space<hbm>>
    tpu.wait_indirect_dma semaphore(%arg12 : memref<!tpu.dma_semaphore, #tpu.memory_space<semaphore_mem>>) src(%dma_wait3A_181 : memref<1001x64xf32, #tpu.memory_space<hbm>>) dst(%dma_wait3A_176 : memref<128x64xf32, #tpu.memory_space<vmem>>)
    %dma_wait3A_182 = arith.constant 1152 : i32
    %dma_wait3A_183 = arith.constant 0 : i32
    %dma_wait3A_184 = tpu.memref_slice %arg9[%dma_wait3A_182, %dma_wait3A_183] : memref<1600x64xf32, #tpu.memory_space<vmem>> -> memref<128x64xf32, #tpu.memory_space<vmem>>
    %dma_wait3A_185 = arith.constant 1152 : i32
    %dma_wait3A_186 = tpu.memref_slice %arg8[%dma_wait3A_185] : memref<1600xi32, #tpu.memory_space<vmem>> -> memref<128xi32, #tpu.memory_space<vmem>>
    %dma_wait3A_187 = arith.constant 0 : i32
    %dma_wait3A_188 = arith.constant 0 : i32
    %dma_wait3A_189 = tpu.memref_slice %arg2[%dma_wait3A_187, %dma_wait3A_188] : memref<1001x64xf32, #tpu.memory_space<hbm>> -> memref<1001x64xf32, #tpu.memory_space<hbm>>
    tpu.wait_indirect_dma semaphore(%arg12 : memref<!tpu.dma_semaphore, #tpu.memory_space<semaphore_mem>>) src(%dma_wait3A_189 : memref<1001x64xf32, #tpu.memory_space<hbm>>) dst(%dma_wait3A_184 : memref<128x64xf32, #tpu.memory_space<vmem>>)
    %dma_wait3A_190 = arith.constant 1280 : i32
    %dma_wait3A_191 = arith.constant 0 : i32
    %dma_wait3A_192 = tpu.memref_slice %arg9[%dma_wait3A_190, %dma_wait3A_191] : memref<1600x64xf32, #tpu.memory_space<vmem>> -> memref<128x64xf32, #tpu.memory_space<vmem>>
    %dma_wait3A_193 = arith.constant 1280 : i32
    %dma_wait3A_194 = tpu.memref_slice %arg8[%dma_wait3A_193] : memref<1600xi32, #tpu.memory_space<vmem>> -> memref<128xi32, #tpu.memory_space<vmem>>
    %dma_wait3A_195 = arith.constant 0 : i32
    %dma_wait3A_196 = arith.constant 0 : i32
    %dma_wait3A_197 = tpu.memref_slice %arg2[%dma_wait3A_195, %dma_wait3A_196] : memref<1001x64xf32, #tpu.memory_space<hbm>> -> memref<1001x64xf32, #tpu.memory_space<hbm>>
    tpu.wait_indirect_dma semaphore(%arg12 : memref<!tpu.dma_semaphore, #tpu.memory_space<semaphore_mem>>) src(%dma_wait3A_197 : memref<1001x64xf32, #tpu.memory_space<hbm>>) dst(%dma_wait3A_192 : memref<128x64xf32, #tpu.memory_space<vmem>>)
    %dma_wait3A_198 = arith.constant 1408 : i32
    %dma_wait3A_199 = arith.constant 0 : i32
    %dma_wait3A_200 = tpu.memref_slice %arg9[%dma_wait3A_198, %dma_wait3A_199] : memref<1600x64xf32, #tpu.memory_space<vmem>> -> memref<128x64xf32, #tpu.memory_space<vmem>>
    %dma_wait3A_201 = arith.constant 1408 : i32
    %dma_wait3A_202 = tpu.memref_slice %arg8[%dma_wait3A_201] : memref<1600xi32, #tpu.memory_space<vmem>> -> memref<128xi32, #tpu.memory_space<vmem>>
    %dma_wait3A_203 = arith.constant 0 : i32
    %dma_wait3A_204 = arith.constant 0 : i32
    %dma_wait3A_205 = tpu.memref_slice %arg2[%dma_wait3A_203, %dma_wait3A_204] : memref<1001x64xf32, #tpu.memory_space<hbm>> -> memref<1001x64xf32, #tpu.memory_space<hbm>>
    tpu.wait_indirect_dma semaphore(%arg12 : memref<!tpu.dma_semaphore, #tpu.memory_space<semaphore_mem>>) src(%dma_wait3A_205 : memref<1001x64xf32, #tpu.memory_space<hbm>>) dst(%dma_wait3A_200 : memref<128x64xf32, #tpu.memory_space<vmem>>)
    %dma_wait3A_206 = arith.constant 1536 : i32
    %dma_wait3A_207 = arith.constant 0 : i32
    %dma_wait3A_208 = tpu.memref_slice %arg9[%dma_wait3A_206, %dma_wait3A_207] : memref<1600x64xf32, #tpu.memory_space<vmem>> -> memref<64x64xf32, #tpu.memory_space<vmem>>
    %dma_wait3A_209 = arith.constant 1536 : i32
    %dma_wait3A_210 = tpu.memref_slice %arg8[%dma_wait3A_209] : memref<1600xi32, #tpu.memory_space<vmem>> -> memref<64xi32, #tpu.memory_space<vmem>>
    %dma_wait3A_211 = arith.constant 0 : i32
    %dma_wait3A_212 = arith.constant 0 : i32
    %dma_wait3A_213 = tpu.memref_slice %arg2[%dma_wait3A_211, %dma_wait3A_212] : memref<1001x64xf32, #tpu.memory_space<hbm>> -> memref<1001x64xf32, #tpu.memory_space<hbm>>
    tpu.wait_indirect_dma semaphore(%arg12 : memref<!tpu.dma_semaphore, #tpu.memory_space<semaphore_mem>>) src(%dma_wait3A_213 : memref<1001x64xf32, #tpu.memory_space<hbm>>) dst(%dma_wait3A_208 : memref<64x64xf32, #tpu.memory_space<vmem>>)
    %dma_wait3A_214 = arith.constant 0 : i32
    %dma_wait3A_215 = arith.constant 0 : i32
    %dma_wait3A_216 = tpu.memref_slice %arg4[%dma_wait3A_214, %dma_wait3A_215] : memref<100001x64xf32, #tpu.memory_space<hbm>> -> memref<100001x64xf32, #tpu.memory_space<hbm>>
    tpu.wait_indirect_dma semaphore(%arg13 : memref<!tpu.dma_semaphore, #tpu.memory_space<semaphore_mem>>) src(%dma_wait3A_216 : memref<100001x64xf32, #tpu.memory_space<hbm>>) dst(%arg11 : memref<32x64xf32, #tpu.memory_space<vmem>>)
    "tpu.region"() ({
      %run_scoped3A = tpu.sem_alloc : memref<!tpu.dma_semaphore, #tpu.memory_space<semaphore_mem>>
      %dma_start3A_217 = arith.constant 0 : i32
      %dma_start3A_218 = tpu.memref_slice %arg6[%mul3A_2, %dma_start3A_217] : memref<51200x64xf32, #tpu.memory_space<hbm>> -> memref<1600x64xf32, #tpu.memory_space<hbm>>
      %dma_start3A_219 = arith.constant 0 : i32
      %dma_start3A_220 = tpu.memref_slice %arg6[%mul3A_2, %dma_start3A_219] : memref<51200x64xf32, #tpu.memory_space<hbm>> -> memref<1600x64xf32, #tpu.memory_space<hbm>>
      tpu.enqueue_dma source(%arg9 : memref<1600x64xf32, #tpu.memory_space<vmem>>) target(%dma_start3A_220 : memref<1600x64xf32, #tpu.memory_space<hbm>>) target_semaphore(%run_scoped3A : memref<!tpu.dma_semaphore, #tpu.memory_space<semaphore_mem>>)
      %dma_wait3A_221 = arith.constant 0 : i32
      %dma_wait3A_222 = tpu.memref_slice %arg6[%mul3A_2, %dma_wait3A_221] : memref<51200x64xf32, #tpu.memory_space<hbm>> -> memref<1600x64xf32, #tpu.memory_space<hbm>>
      %dma_wait3A_223 = arith.constant 0 : i32
      %dma_wait3A_224 = tpu.memref_slice %arg6[%mul3A_2, %dma_wait3A_223] : memref<51200x64xf32, #tpu.memory_space<hbm>> -> memref<1600x64xf32, #tpu.memory_space<hbm>>
      tpu.wait_dma2 semaphore(%run_scoped3A : memref<!tpu.dma_semaphore, #tpu.memory_space<semaphore_mem>>) src(%arg9 : memref<1600x64xf32, #tpu.memory_space<vmem>>) dst(%dma_wait3A_224 : memref<1600x64xf32, #tpu.memory_space<hbm>>)
      tpu.yield
    }) : () -> ()
    "tpu.region"() ({
      %run_scoped3A = tpu.sem_alloc : memref<!tpu.dma_semaphore, #tpu.memory_space<semaphore_mem>>
      %dma_start3A_217 = arith.constant 0 : i32
      %dma_start3A_218 = tpu.memref_slice %arg7[%mul3A_4, %dma_start3A_217] : memref<1024x64xf32, #tpu.memory_space<hbm>> -> memref<32x64xf32, #tpu.memory_space<hbm>>
      %dma_start3A_219 = arith.constant 0 : i32
      %dma_start3A_220 = tpu.memref_slice %arg7[%mul3A_4, %dma_start3A_219] : memref<1024x64xf32, #tpu.memory_space<hbm>> -> memref<32x64xf32, #tpu.memory_space<hbm>>
      tpu.enqueue_dma source(%arg11 : memref<32x64xf32, #tpu.memory_space<vmem>>) target(%dma_start3A_220 : memref<32x64xf32, #tpu.memory_space<hbm>>) target_semaphore(%run_scoped3A : memref<!tpu.dma_semaphore, #tpu.memory_space<semaphore_mem>>)
      %dma_wait3A_221 = arith.constant 0 : i32
      %dma_wait3A_222 = tpu.memref_slice %arg7[%mul3A_4, %dma_wait3A_221] : memref<1024x64xf32, #tpu.memory_space<hbm>> -> memref<32x64xf32, #tpu.memory_space<hbm>>
      %dma_wait3A_223 = arith.constant 0 : i32
      %dma_wait3A_224 = tpu.memref_slice %arg7[%mul3A_4, %dma_wait3A_223] : memref<1024x64xf32, #tpu.memory_space<hbm>> -> memref<32x64xf32, #tpu.memory_space<hbm>>
      tpu.wait_dma2 semaphore(%run_scoped3A : memref<!tpu.dma_semaphore, #tpu.memory_space<semaphore_mem>>) src(%arg11 : memref<32x64xf32, #tpu.memory_space<vmem>>) dst(%dma_wait3A_224 : memref<32x64xf32, #tpu.memory_space<hbm>>)
      tpu.yield
    }) : () -> ()
    return
  }
}

module attributes {stable_mosaic.version = 14 : i64} {
  func.func @_fuse_body(%arg0: memref<101x64xf32, #tpu.memory_space<vmem>>, %arg1: memref<21x4xf32, #tpu.memory_space<vmem>>, %arg2: memref<101x64xf32, #tpu.memory_space<vmem>>, %arg3: memref<13x64xf32, #tpu.memory_space<vmem>>, %arg4: memref<64x192xf32, #tpu.memory_space<vmem>>, %arg5: memref<4x192xf32, #tpu.memory_space<vmem>>, %arg6: memref<64x192xf32, #tpu.memory_space<vmem>>, %arg7: memref<64x192xf32, #tpu.memory_space<vmem>>, %arg8: memref<1024x1xi32, #tpu.memory_space<vmem>>, %arg9: memref<1024x1xi32, #tpu.memory_space<vmem>>, %arg10: memref<1024x1xi32, #tpu.memory_space<vmem>>, %arg11: memref<1024x1xi32, #tpu.memory_space<vmem>>, %arg12: memref<5x64xf32, #tpu.memory_space<vmem>>, %arg13: memref<51x64xf32, #tpu.memory_space<vmem>>, %arg14: memref<13x64xf32, #tpu.memory_space<vmem>>, %arg15: memref<236x192xf32, #tpu.memory_space<vmem>>, %arg16: memref<1024x64xf32, #tpu.memory_space<vmem>>, %arg17: memref<1024x64xf32, #tpu.memory_space<vmem>>, %arg18: memref<1024x11xf32, #tpu.memory_space<vmem>>, %arg19: memref<1024x64xf32, #tpu.memory_space<vmem>>) attributes {dimension_semantics = [], scalar_prefetch = 0 : i64, scratch_operands = 0 : i64, tpu.core_type = #tpu.core_type<tc>} {
    %get3A = arith.constant 0 : index
    %get3A_0 = arith.constant 0 : index
    %get3A_1 = vector.load %arg0[%get3A, %get3A_0] : memref<101x64xf32, #tpu.memory_space<vmem>>, vector<101x64xf32>
    %get3A_2 = arith.constant 0 : index
    %get3A_3 = arith.constant 0 : index
    %get3A_4 = vector.load %arg4[%get3A_2, %get3A_3] : memref<64x192xf32, #tpu.memory_space<vmem>>, vector<64x192xf32>
    %dot_general3A = arith.constant dense<0.000000e+00> : vector<101x192xf32>
    %dot_general3A_5 = tpu.matmul %get3A_1, %get3A_4, %dot_general3A {dimension_numbers = #tpu.dot_dimension_numbers<[1], [0], [0], [1], [0, 0, 1, 1], [], []>, transpose_lhs_hint = false} : vector<101x64xf32>, vector<64x192xf32>, vector<101x192xf32> -> vector<101x192xf32>
    %get3A_6 = arith.constant 0 : index
    %get3A_7 = arith.constant 0 : index
    %get3A_8 = vector.load %arg1[%get3A_6, %get3A_7] : memref<21x4xf32, #tpu.memory_space<vmem>>, vector<21x4xf32>
    %get3A_9 = arith.constant 0 : index
    %get3A_10 = arith.constant 0 : index
    %get3A_11 = vector.load %arg5[%get3A_9, %get3A_10] : memref<4x192xf32, #tpu.memory_space<vmem>>, vector<4x192xf32>
    %dot_general3A_12 = arith.constant dense<0.000000e+00> : vector<21x192xf32>
    %dot_general3A_13 = tpu.matmul %get3A_8, %get3A_11, %dot_general3A_12 {dimension_numbers = #tpu.dot_dimension_numbers<[1], [0], [0], [1], [0, 0, 1, 1], [], []>, transpose_lhs_hint = false} : vector<21x4xf32>, vector<4x192xf32>, vector<21x192xf32> -> vector<21x192xf32>
    %get3A_14 = arith.constant 0 : index
    %get3A_15 = arith.constant 0 : index
    %get3A_16 = vector.load %arg2[%get3A_14, %get3A_15] : memref<101x64xf32, #tpu.memory_space<vmem>>, vector<101x64xf32>
    %get3A_17 = arith.constant 0 : index
    %get3A_18 = arith.constant 0 : index
    %get3A_19 = vector.load %arg6[%get3A_17, %get3A_18] : memref<64x192xf32, #tpu.memory_space<vmem>>, vector<64x192xf32>
    %dot_general3A_20 = arith.constant dense<0.000000e+00> : vector<101x192xf32>
    %dot_general3A_21 = tpu.matmul %get3A_16, %get3A_19, %dot_general3A_20 {dimension_numbers = #tpu.dot_dimension_numbers<[1], [0], [0], [1], [0, 0, 1, 1], [], []>, transpose_lhs_hint = false} : vector<101x64xf32>, vector<64x192xf32>, vector<101x192xf32> -> vector<101x192xf32>
    %get3A_22 = arith.constant 0 : index
    %get3A_23 = arith.constant 0 : index
    %get3A_24 = vector.load %arg3[%get3A_22, %get3A_23] : memref<13x64xf32, #tpu.memory_space<vmem>>, vector<13x64xf32>
    %get3A_25 = arith.constant 0 : index
    %get3A_26 = arith.constant 0 : index
    %get3A_27 = vector.load %arg7[%get3A_25, %get3A_26] : memref<64x192xf32, #tpu.memory_space<vmem>>, vector<64x192xf32>
    %dot_general3A_28 = arith.constant dense<0.000000e+00> : vector<13x192xf32>
    %dot_general3A_29 = tpu.matmul %get3A_24, %get3A_27, %dot_general3A_28 {dimension_numbers = #tpu.dot_dimension_numbers<[1], [0], [0], [1], [0, 0, 1, 1], [], []>, transpose_lhs_hint = false} : vector<13x64xf32>, vector<64x192xf32>, vector<13x192xf32> -> vector<13x192xf32>
    %concatenate3A = tpu.concatenate %dot_general3A_5, %dot_general3A_13, %dot_general3A_21, %dot_general3A_29 in 0 : vector<101x192xf32>, vector<21x192xf32>, vector<101x192xf32>, vector<13x192xf32> -> vector<236x192xf32>
    %swap3A = arith.constant 0 : index
    %swap3A_30 = arith.constant 0 : index
    %swap3A_31 = vector.load %arg15[%swap3A, %swap3A_30] : memref<236x192xf32, #tpu.memory_space<vmem>>, vector<236x192xf32>
    tpu.vector_store %arg15[%swap3A, %swap3A_30], %concatenate3A {strides = array<i32>} : memref<236x192xf32, #tpu.memory_space<vmem>>, vector<236x192xf32>,
    %get3A_32 = arith.constant 0 : index
    %get3A_33 = arith.constant 0 : index
    %get3A_34 = vector.load %arg8[%get3A_32, %get3A_33] : memref<1024x1xi32, #tpu.memory_space<vmem>>, vector<1024x1xi32>
    %iota3A = tpu.iota {dimensions = array<i32: 1>} : vector<1024x5xi32>
    %eq3A = vector.broadcast %get3A_34 : vector<1024x1xi32> to vector<1024x5xi32>
    %eq3A_35 = arith.cmpi eq, %eq3A, %iota3A : vector<1024x5xi32>
    %convert_element_type3A = arith.extui %eq3A_35 : vector<1024x5xi1> to vector<1024x5xi32>
    %convert_element_type3A_36 = arith.sitofp %convert_element_type3A : vector<1024x5xi32> to vector<1024x5xf32>
    %get3A_37 = arith.constant 0 : index
    %get3A_38 = arith.constant 0 : index
    %get3A_39 = vector.load %arg12[%get3A_37, %get3A_38] : memref<5x64xf32, #tpu.memory_space<vmem>>, vector<5x64xf32>
    %dot_general3A_40 = arith.constant dense<0.000000e+00> : vector<1024x64xf32>
    %dot_general3A_41 = tpu.matmul %convert_element_type3A_36, %get3A_39, %dot_general3A_40 {dimension_numbers = #tpu.dot_dimension_numbers<[1], [0], [0], [1], [0, 0, 1, 1], [], []>, transpose_lhs_hint = false} : vector<1024x5xf32>, vector<5x64xf32>, vector<1024x64xf32> -> vector<1024x64xf32>
    %swap3A_42 = arith.constant 0 : index
    %swap3A_43 = arith.constant 0 : index
    %swap3A_44 = vector.load %arg16[%swap3A_42, %swap3A_43] : memref<1024x64xf32, #tpu.memory_space<vmem>>, vector<1024x64xf32>
    tpu.vector_store %arg16[%swap3A_42, %swap3A_43], %dot_general3A_41 {strides = array<i32>} : memref<1024x64xf32, #tpu.memory_space<vmem>>, vector<1024x64xf32>,
    %get3A_45 = arith.constant 0 : index
    %get3A_46 = arith.constant 0 : index
    %get3A_47 = vector.load %arg9[%get3A_45, %get3A_46] : memref<1024x1xi32, #tpu.memory_space<vmem>>, vector<1024x1xi32>
    %iota3A_48 = tpu.iota {dimensions = array<i32: 1>} : vector<1024x51xi32>
    %eq3A_49 = vector.broadcast %get3A_47 : vector<1024x1xi32> to vector<1024x51xi32>
    %eq3A_50 = arith.cmpi eq, %eq3A_49, %iota3A_48 : vector<1024x51xi32>
    %convert_element_type3A_51 = arith.extui %eq3A_50 : vector<1024x51xi1> to vector<1024x51xi32>
    %convert_element_type3A_52 = arith.sitofp %convert_element_type3A_51 : vector<1024x51xi32> to vector<1024x51xf32>
    %get3A_53 = arith.constant 0 : index
    %get3A_54 = arith.constant 0 : index
    %get3A_55 = vector.load %arg13[%get3A_53, %get3A_54] : memref<51x64xf32, #tpu.memory_space<vmem>>, vector<51x64xf32>
    %dot_general3A_56 = arith.constant dense<0.000000e+00> : vector<1024x64xf32>
    %dot_general3A_57 = tpu.matmul %convert_element_type3A_52, %get3A_55, %dot_general3A_56 {dimension_numbers = #tpu.dot_dimension_numbers<[1], [0], [0], [1], [0, 0, 1, 1], [], []>, transpose_lhs_hint = false} : vector<1024x51xf32>, vector<51x64xf32>, vector<1024x64xf32> -> vector<1024x64xf32>
    %swap3A_58 = arith.constant 0 : index
    %swap3A_59 = arith.constant 0 : index
    %swap3A_60 = vector.load %arg17[%swap3A_58, %swap3A_59] : memref<1024x64xf32, #tpu.memory_space<vmem>>, vector<1024x64xf32>
    tpu.vector_store %arg17[%swap3A_58, %swap3A_59], %dot_general3A_57 {strides = array<i32>} : memref<1024x64xf32, #tpu.memory_space<vmem>>, vector<1024x64xf32>,
    %get3A_61 = arith.constant 0 : index
    %get3A_62 = arith.constant 0 : index
    %get3A_63 = vector.load %arg10[%get3A_61, %get3A_62] : memref<1024x1xi32, #tpu.memory_space<vmem>>, vector<1024x1xi32>
    %iota3A_64 = tpu.iota {dimensions = array<i32: 1>} : vector<1024x11xi32>
    %eq3A_65 = vector.broadcast %get3A_63 : vector<1024x1xi32> to vector<1024x11xi32>
    %eq3A_66 = arith.cmpi eq, %eq3A_65, %iota3A_64 : vector<1024x11xi32>
    %convert_element_type3A_67 = arith.extui %eq3A_66 : vector<1024x11xi1> to vector<1024x11xi32>
    %convert_element_type3A_68 = arith.sitofp %convert_element_type3A_67 : vector<1024x11xi32> to vector<1024x11xf32>
    %swap3A_69 = arith.constant 0 : index
    %swap3A_70 = arith.constant 0 : index
    %swap3A_71 = vector.load %arg18[%swap3A_69, %swap3A_70] : memref<1024x11xf32, #tpu.memory_space<vmem>>, vector<1024x11xf32>
    tpu.vector_store %arg18[%swap3A_69, %swap3A_70], %convert_element_type3A_68 {strides = array<i32>} : memref<1024x11xf32, #tpu.memory_space<vmem>>, vector<1024x11xf32>,
    %get3A_72 = arith.constant 0 : index
    %get3A_73 = arith.constant 0 : index
    %get3A_74 = vector.load %arg11[%get3A_72, %get3A_73] : memref<1024x1xi32, #tpu.memory_space<vmem>>, vector<1024x1xi32>
    %iota3A_75 = tpu.iota {dimensions = array<i32: 1>} : vector<1024x13xi32>
    %eq3A_76 = vector.broadcast %get3A_74 : vector<1024x1xi32> to vector<1024x13xi32>
    %eq3A_77 = arith.cmpi eq, %eq3A_76, %iota3A_75 : vector<1024x13xi32>
    %convert_element_type3A_78 = arith.extui %eq3A_77 : vector<1024x13xi1> to vector<1024x13xi32>
    %convert_element_type3A_79 = arith.sitofp %convert_element_type3A_78 : vector<1024x13xi32> to vector<1024x13xf32>
    %get3A_80 = arith.constant 0 : index
    %get3A_81 = arith.constant 0 : index
    %get3A_82 = vector.load %arg14[%get3A_80, %get3A_81] : memref<13x64xf32, #tpu.memory_space<vmem>>, vector<13x64xf32>
    %dot_general3A_83 = arith.constant dense<0.000000e+00> : vector<1024x64xf32>
    %dot_general3A_84 = tpu.matmul %convert_element_type3A_79, %get3A_82, %dot_general3A_83 {dimension_numbers = #tpu.dot_dimension_numbers<[1], [0], [0], [1], [0, 0, 1, 1], [], []>, transpose_lhs_hint = false} : vector<1024x13xf32>, vector<13x64xf32>, vector<1024x64xf32> -> vector<1024x64xf32>
    %swap3A_85 = arith.constant 0 : index
    %swap3A_86 = arith.constant 0 : index
    %swap3A_87 = vector.load %arg19[%swap3A_85, %swap3A_86] : memref<1024x64xf32, #tpu.memory_space<vmem>>, vector<1024x64xf32>
    tpu.vector_store %arg19[%swap3A_85, %swap3A_86], %dot_general3A_84 {strides = array<i32>} : memref<1024x64xf32, #tpu.memory_space<vmem>>, vector<1024x64xf32>,
    return
  }
}

module attributes {stable_mosaic.version = 14 : i64} {
  func.func @_gx_body(%arg0: i32, %arg1: memref<1x1024x64xf32, #tpu.memory_space<vmem>>, %arg2: memref<1x1024x64xf32, #tpu.memory_space<vmem>>, %arg3: memref<1x1024x1xi32, #tpu.memory_space<vmem>>, %arg4: memref<1x1024x1xi32, #tpu.memory_space<vmem>>, %arg5: memref<1x1024x1xi32, #tpu.memory_space<vmem>>, %arg6: memref<1x1024x1xi32, #tpu.memory_space<vmem>>, %arg7: memref<236x192xf32, #tpu.memory_space<vmem>>, %arg8: memref<64x64xf32, #tpu.memory_space<vmem>>, %arg9: memref<1x64xf32, #tpu.memory_space<vmem>>, %arg10: memref<64x192xf32, #tpu.memory_space<vmem>>, %arg11: memref<64x192xf32, #tpu.memory_space<vmem>>, %arg12: memref<1x192xf32, #tpu.memory_space<vmem>>, %arg13: memref<1x1024x192xbf16, #tpu.memory_space<vmem>>) attributes {dimension_semantics = [#tpu.dimension_semantics<parallel>], iteration_bounds = array<i64: 50>, scalar_prefetch = 0 : i64, scratch_operands = 0 : i64, tpu.core_type = #tpu.core_type<tc>, window_params = [{transform_indices = @transform_0, window_bounds = array<i64: 1, 1024, 64>}, {transform_indices = @transform_1, window_bounds = array<i64: 1, 1024, 64>}, {transform_indices = @transform_2, window_bounds = array<i64: 1, 1024, 1>}, {transform_indices = @transform_3, window_bounds = array<i64: 1, 1024, 1>}, {transform_indices = @transform_4, window_bounds = array<i64: 1, 1024, 1>}, {transform_indices = @transform_5, window_bounds = array<i64: 1, 1024, 1>}, {pipeline_mode = #tpu.pipeline_mode<synchronous>, transform_indices = @transform_6, window_bounds = array<i64: 236, 192>}, {pipeline_mode = #tpu.pipeline_mode<synchronous>, transform_indices = @transform_7, window_bounds = array<i64: 64, 64>}, {pipeline_mode = #tpu.pipeline_mode<synchronous>, transform_indices = @transform_8, window_bounds = array<i64: 1, 64>}, {pipeline_mode = #tpu.pipeline_mode<synchronous>, transform_indices = @transform_9, window_bounds = array<i64: 64, 192>}, {pipeline_mode = #tpu.pipeline_mode<synchronous>, transform_indices = @transform_10, window_bounds = array<i64: 64, 192>}, {pipeline_mode = #tpu.pipeline_mode<synchronous>, transform_indices = @transform_11, window_bounds = array<i64: 1, 192>}, {transform_indices = @transform_12, window_bounds = array<i64: 1, 1024, 192>}]} {
    %iota3A = tpu.iota {dimensions = array<i32: 1>} : vector<1024x236xi32>
    %get3A = arith.constant 0 : index
    %get3A_0 = arith.constant 0 : index
    %get3A_1 = arith.constant 0 : index
    %get3A_2 = vector.load %arg3[%get3A, %get3A_0, %get3A_1] : memref<1x1024x1xi32, #tpu.memory_space<vmem>>, vector<1x1024x1xi32>
    %get3A_3 = vector.shape_cast %get3A_2 : vector<1x1024x1xi32> to vector<1024x1xi32>
    %eq3A = vector.broadcast %get3A_3 : vector<1024x1xi32> to vector<1024x236xi32>
    %eq3A_4 = arith.cmpi eq, %eq3A, %iota3A : vector<1024x236xi32>
    %get3A_5 = arith.constant 0 : index
    %get3A_6 = arith.constant 0 : index
    %get3A_7 = arith.constant 0 : index
    %get3A_8 = vector.load %arg4[%get3A_5, %get3A_6, %get3A_7] : memref<1x1024x1xi32, #tpu.memory_space<vmem>>, vector<1x1024x1xi32>
    %get3A_9 = vector.shape_cast %get3A_8 : vector<1x1024x1xi32> to vector<1024x1xi32>
    %add3A = arith.constant 101 : i32
    %add3A_10 = vector.broadcast %add3A : i32 to vector<1024x1xi32>
    %add3A_11 = arith.addi %get3A_9, %add3A_10 : vector<1024x1xi32>
    %eq3A_12 = vector.broadcast %add3A_11 : vector<1024x1xi32> to vector<1024x236xi32>
    %eq3A_13 = arith.cmpi eq, %eq3A_12, %iota3A : vector<1024x236xi32>
    %or3A = arith.ori %eq3A_4, %eq3A_13 : vector<1024x236xi1>
    %get3A_14 = arith.constant 0 : index
    %get3A_15 = arith.constant 0 : index
    %get3A_16 = arith.constant 0 : index
    %get3A_17 = vector.load %arg5[%get3A_14, %get3A_15, %get3A_16] : memref<1x1024x1xi32, #tpu.memory_space<vmem>>, vector<1x1024x1xi32>
    %get3A_18 = vector.shape_cast %get3A_17 : vector<1x1024x1xi32> to vector<1024x1xi32>
    %add3A_19 = arith.constant 122 : i32
    %add3A_20 = vector.broadcast %add3A_19 : i32 to vector<1024x1xi32>
    %add3A_21 = arith.addi %get3A_18, %add3A_20 : vector<1024x1xi32>
    %eq3A_22 = vector.broadcast %add3A_21 : vector<1024x1xi32> to vector<1024x236xi32>
    %eq3A_23 = arith.cmpi eq, %eq3A_22, %iota3A : vector<1024x236xi32>
    %or3A_24 = arith.ori %or3A, %eq3A_23 : vector<1024x236xi1>
    %get3A_25 = arith.constant 0 : index
    %get3A_26 = arith.constant 0 : index
    %get3A_27 = arith.constant 0 : index
    %get3A_28 = vector.load %arg6[%get3A_25, %get3A_26, %get3A_27] : memref<1x1024x1xi32, #tpu.memory_space<vmem>>, vector<1x1024x1xi32>
    %get3A_29 = vector.shape_cast %get3A_28 : vector<1x1024x1xi32> to vector<1024x1xi32>
    %add3A_30 = arith.constant 223 : i32
    %add3A_31 = vector.broadcast %add3A_30 : i32 to vector<1024x1xi32>
    %add3A_32 = arith.addi %get3A_29, %add3A_31 : vector<1024x1xi32>
    %eq3A_33 = vector.broadcast %add3A_32 : vector<1024x1xi32> to vector<1024x236xi32>
    %eq3A_34 = arith.cmpi eq, %eq3A_33, %iota3A : vector<1024x236xi32>
    %or3A_35 = arith.ori %or3A_24, %eq3A_34 : vector<1024x236xi1>
    %convert_element_type3A = arith.extui %or3A_35 : vector<1024x236xi1> to vector<1024x236xi32>
    %convert_element_type3A_36 = arith.sitofp %convert_element_type3A : vector<1024x236xi32> to vector<1024x236xf32>
    %get3A_37 = arith.constant 0 : index
    %get3A_38 = arith.constant 0 : index
    %get3A_39 = arith.constant 0 : index
    %get3A_40 = vector.load %arg1[%get3A_37, %get3A_38, %get3A_39] : memref<1x1024x64xf32, #tpu.memory_space<vmem>>, vector<1x1024x64xf32>
    %get3A_41 = vector.shape_cast %get3A_40 : vector<1x1024x64xf32> to vector<1024x64xf32>
    %get3A_42 = arith.constant 0 : index
    %get3A_43 = arith.constant 0 : index
    %get3A_44 = vector.load %arg10[%get3A_42, %get3A_43] : memref<64x192xf32, #tpu.memory_space<vmem>>, vector<64x192xf32>
    %dot_general3A = arith.constant dense<0.000000e+00> : vector<1024x192xf32>
    %dot_general3A_45 = tpu.matmul %get3A_41, %get3A_44, %dot_general3A {dimension_numbers = #tpu.dot_dimension_numbers<[1], [0], [0], [1], [0, 0, 1, 1], [], []>, transpose_lhs_hint = false} : vector<1024x64xf32>, vector<64x192xf32>, vector<1024x192xf32> -> vector<1024x192xf32>
    %get3A_46 = arith.constant 0 : index
    %get3A_47 = arith.constant 0 : index
    %get3A_48 = vector.load %arg7[%get3A_46, %get3A_47] : memref<236x192xf32, #tpu.memory_space<vmem>>, vector<236x192xf32>
    %dot_general3A_49 = arith.constant dense<0.000000e+00> : vector<1024x192xf32>
    %dot_general3A_50 = tpu.matmul %convert_element_type3A_36, %get3A_48, %dot_general3A_49 {dimension_numbers = #tpu.dot_dimension_numbers<[1], [0], [0], [1], [0, 0, 1, 1], [], []>, transpose_lhs_hint = false} : vector<1024x236xf32>, vector<236x192xf32>, vector<1024x192xf32> -> vector<1024x192xf32>
    %add3A_51 = arith.addf %dot_general3A_45, %dot_general3A_50 : vector<1024x192xf32>
    %get3A_52 = arith.constant 0 : index
    %get3A_53 = arith.constant 0 : index
    %get3A_54 = arith.constant 0 : index
    %get3A_55 = vector.load %arg2[%get3A_52, %get3A_53, %get3A_54] : memref<1x1024x64xf32, #tpu.memory_space<vmem>>, vector<1x1024x64xf32>
    %get3A_56 = vector.shape_cast %get3A_55 : vector<1x1024x64xf32> to vector<1024x64xf32>
    %get3A_57 = arith.constant 0 : index
    %get3A_58 = arith.constant 0 : index
    %get3A_59 = vector.load %arg8[%get3A_57, %get3A_58] : memref<64x64xf32, #tpu.memory_space<vmem>>, vector<64x64xf32>
    %dot_general3A_60 = arith.constant dense<0.000000e+00> : vector<1024x64xf32>
    %dot_general3A_61 = tpu.matmul %get3A_56, %get3A_59, %dot_general3A_60 {dimension_numbers = #tpu.dot_dimension_numbers<[1], [0], [0], [1], [0, 0, 1, 1], [], []>, transpose_lhs_hint = false} : vector<1024x64xf32>, vector<64x64xf32>, vector<1024x64xf32> -> vector<1024x64xf32>
    %get3A_62 = arith.constant 0 : index
    %get3A_63 = arith.constant 0 : index
    %get3A_64 = vector.load %arg9[%get3A_62, %get3A_63] : memref<1x64xf32, #tpu.memory_space<vmem>>, vector<1x64xf32>
    %add3A_65 = vector.broadcast %get3A_64 : vector<1x64xf32> to vector<1024x64xf32>
    %add3A_66 = arith.addf %dot_general3A_61, %add3A_65 : vector<1024x64xf32>
    %max3A = arith.constant 0.000000e+00 : f32
    %max3A_67 = vector.broadcast %max3A : f32 to vector<1024x64xf32>
    %max3A_68 = arith.maximumf %add3A_66, %max3A_67 : vector<1024x64xf32>
    %get3A_69 = arith.constant 0 : index
    %get3A_70 = arith.constant 0 : index
    %get3A_71 = vector.load %arg11[%get3A_69, %get3A_70] : memref<64x192xf32, #tpu.memory_space<vmem>>, vector<64x192xf32>
    %dot_general3A_72 = arith.constant dense<0.000000e+00> : vector<1024x192xf32>
    %dot_general3A_73 = tpu.matmul %max3A_68, %get3A_71, %dot_general3A_72 {dimension_numbers = #tpu.dot_dimension_numbers<[1], [0], [0], [1], [0, 0, 1, 1], [], []>, transpose_lhs_hint = false} : vector<1024x64xf32>, vector<64x192xf32>, vector<1024x192xf32> -> vector<1024x192xf32>
    %add3A_74 = arith.addf %add3A_51, %dot_general3A_73 : vector<1024x192xf32>
    %get3A_75 = arith.constant 0 : index
    %get3A_76 = arith.constant 0 : index
    %get3A_77 = vector.load %arg12[%get3A_75, %get3A_76] : memref<1x192xf32, #tpu.memory_space<vmem>>, vector<1x192xf32>
    %add3A_78 = vector.broadcast %get3A_77 : vector<1x192xf32> to vector<1024x192xf32>
    %add3A_79 = arith.addf %add3A_74, %add3A_78 : vector<1024x192xf32>
    %convert_element_type3A_80 = arith.truncf %add3A_79 : vector<1024x192xf32> to vector<1024x192xbf16>
    %swap3A = arith.constant 0 : index
    %swap3A_81 = arith.constant 0 : index
    %swap3A_82 = arith.constant 0 : index
    %swap3A_83 = vector.load %arg13[%swap3A, %swap3A_81, %swap3A_82] : memref<1x1024x192xbf16, #tpu.memory_space<vmem>>, vector<1x1024x192xbf16>
    %swap3A_84 = vector.shape_cast %swap3A_83 : vector<1x1024x192xbf16> to vector<1024x192xbf16>
    %swap3A_85 = vector.shape_cast %convert_element_type3A_80 : vector<1024x192xbf16> to vector<1x1024x192xbf16>
    tpu.vector_store %arg13[%swap3A, %swap3A_81, %swap3A_82], %swap3A_85 {strides = array<i32>} : memref<1x1024x192xbf16, #tpu.memory_space<vmem>>, vector<1x1024x192xbf16>,
    return
  }
  func.func @transform_0(%arg0: i32) -> (i32, i32, i32) {
    %c0_i32 = arith.constant 0 : i32
    %c0_i32_0 = arith.constant 0 : i32
    %c0_i32_1 = arith.constant 0 : i32
    return %arg0, %c0_i32, %c0_i32_0 : i32, i32, i32
  }
  func.func @transform_1(%arg0: i32) -> (i32, i32, i32) {
    %c0_i32 = arith.constant 0 : i32
    %c0_i32_0 = arith.constant 0 : i32
    %c0_i32_1 = arith.constant 0 : i32
    return %arg0, %c0_i32, %c0_i32_0 : i32, i32, i32
  }
  func.func @transform_2(%arg0: i32) -> (i32, i32, i32) {
    %c0_i32 = arith.constant 0 : i32
    %c0_i32_0 = arith.constant 0 : i32
    %c0_i32_1 = arith.constant 0 : i32
    return %arg0, %c0_i32, %c0_i32_0 : i32, i32, i32
  }
  func.func @transform_3(%arg0: i32) -> (i32, i32, i32) {
    %c0_i32 = arith.constant 0 : i32
    %c0_i32_0 = arith.constant 0 : i32
    %c0_i32_1 = arith.constant 0 : i32
    return %arg0, %c0_i32, %c0_i32_0 : i32, i32, i32
  }
  func.func @transform_4(%arg0: i32) -> (i32, i32, i32) {
    %c0_i32 = arith.constant 0 : i32
    %c0_i32_0 = arith.constant 0 : i32
    %c0_i32_1 = arith.constant 0 : i32
    return %arg0, %c0_i32, %c0_i32_0 : i32, i32, i32
  }
  func.func @transform_5(%arg0: i32) -> (i32, i32, i32) {
    %c0_i32 = arith.constant 0 : i32
    %c0_i32_0 = arith.constant 0 : i32
    %c0_i32_1 = arith.constant 0 : i32
    return %arg0, %c0_i32, %c0_i32_0 : i32, i32, i32
  }
  func.func @transform_6(%arg0: i32) -> (i32, i32) {
    %c0_i32 = arith.constant 0 : i32
    %c0_i32_0 = arith.constant 0 : i32
    %c0_i32_1 = arith.constant 0 : i32
    return %c0_i32, %c0_i32_0 : i32, i32
  }
  func.func @transform_7(%arg0: i32) -> (i32, i32) {
    %c0_i32 = arith.constant 0 : i32
    %c0_i32_0 = arith.constant 0 : i32
    %c0_i32_1 = arith.constant 0 : i32
    return %c0_i32, %c0_i32_0 : i32, i32
  }
  func.func @transform_8(%arg0: i32) -> (i32, i32) {
    %c0_i32 = arith.constant 0 : i32
    %c0_i32_0 = arith.constant 0 : i32
    %c0_i32_1 = arith.constant 0 : i32
    return %c0_i32, %c0_i32_0 : i32, i32
  }
  func.func @transform_9(%arg0: i32) -> (i32, i32) {
    %c0_i32 = arith.constant 0 : i32
    %c0_i32_0 = arith.constant 0 : i32
    %c0_i32_1 = arith.constant 0 : i32
    return %c0_i32, %c0_i32_0 : i32, i32
  }
  func.func @transform_10(%arg0: i32) -> (i32, i32) {
    %c0_i32 = arith.constant 0 : i32
    %c0_i32_0 = arith.constant 0 : i32
    %c0_i32_1 = arith.constant 0 : i32
    return %c0_i32, %c0_i32_0 : i32, i32
  }
  func.func @transform_11(%arg0: i32) -> (i32, i32) {
    %c0_i32 = arith.constant 0 : i32
    %c0_i32_0 = arith.constant 0 : i32
    %c0_i32_1 = arith.constant 0 : i32
    return %c0_i32, %c0_i32_0 : i32, i32
  }
  func.func @transform_12(%arg0: i32) -> (i32, i32, i32) {
    %c0_i32 = arith.constant 0 : i32
    %c0_i32_0 = arith.constant 0 : i32
    %c0_i32_1 = arith.constant 0 : i32
    return %arg0, %c0_i32, %c0_i32_0 : i32, i32, i32
  }
}

module attributes {stable_mosaic.version = 14 : i64} {
  func.func @_rec_body(%arg0: memref<50x1024x192xbf16, #tpu.memory_space<vmem>>, %arg1: memref<64x192xf32, #tpu.memory_space<vmem>>, %arg2: memref<1x192xf32, #tpu.memory_space<vmem>>, %arg3: memref<1024x64xf32, #tpu.memory_space<vmem>>, %arg4: memref<1024x64xf32, #tpu.memory_space<vmem>>, %arg5: memref<1024x64xf32, #tpu.memory_space<vmem>>, %arg6: memref<1024x11xf32, #tpu.memory_space<vmem>>, %arg7: memref<1024x64xf32, #tpu.memory_space<vmem>>, %arg8: memref<1024x331xf32, #tpu.memory_space<vmem>>, %arg9: memref<1024x64xf32, #tpu.memory_space<vmem>>) attributes {dimension_semantics = [], scalar_prefetch = 0 : i64, scratch_operands = 1 : i64, tpu.core_type = #tpu.core_type<tc>} {
    %broadcast_in_dim3A = arith.constant 0.000000e+00 : f32
    %broadcast_in_dim3A_0 = vector.broadcast %broadcast_in_dim3A : f32 to vector<1024x64xf32>
    %swap3A = arith.constant 0 : index
    %swap3A_1 = arith.constant 0 : index
    %swap3A_2 = vector.load %arg9[%swap3A, %swap3A_1] : memref<1024x64xf32, #tpu.memory_space<vmem>>, vector<1024x64xf32>
    tpu.vector_store %arg9[%swap3A, %swap3A_1], %broadcast_in_dim3A_0 {strides = array<i32>} : memref<1024x64xf32, #tpu.memory_space<vmem>>, vector<1024x64xf32>,
    %scan3A = arith.constant 0 : i32
    %scan3A_3 = arith.constant 50 : i32
    %scan3A_4 = arith.addi %scan3A, %scan3A_3 : i32
    %scan3A_5 = arith.constant 1 : i32
    scf.for %scan3A_42 = %scan3A to %scan3A_4 step %scan3A_5  : i32 {
      %lt3A = arith.constant 25 : i32
      %lt3A_43 = arith.cmpi slt, %scan3A_42, %lt3A : i32
      %sub3A = arith.constant 49 : i32
      %sub3A_44 = arith.subi %sub3A, %scan3A_42 : i32
      %select_n3A = arith.select %lt3A_43, %sub3A_44, %scan3A_42 : i32
      %get3A_45 = arith.index_cast %select_n3A : i32 to index
      %get3A_46 = arith.constant 0 : index
      %get3A_47 = arith.constant 0 : index
      %get3A_48 = vector.load %arg0[%get3A_45, %get3A_46, %get3A_47] : memref<50x1024x192xbf16, #tpu.memory_space<vmem>>, vector<1x1024x192xbf16>
      %get3A_49 = vector.shape_cast %get3A_48 : vector<1x1024x192xbf16> to vector<1024x192xbf16>
      %convert_element_type3A = arith.extf %get3A_49 : vector<1024x192xbf16> to vector<1024x192xf32>
      %get3A_50 = arith.constant 0 : index
      %get3A_51 = arith.constant 0 : index
      %get3A_52 = vector.load %arg9[%get3A_50, %get3A_51] : memref<1024x64xf32, #tpu.memory_space<vmem>>, vector<1024x64xf32>
      %get3A_53 = arith.constant 0 : index
      %get3A_54 = arith.constant 0 : index
      %get3A_55 = vector.load %arg1[%get3A_53, %get3A_54] : memref<64x192xf32, #tpu.memory_space<vmem>>, vector<64x192xf32>
      %dot_general3A = arith.constant dense<0.000000e+00> : vector<1024x192xf32>
      %dot_general3A_56 = tpu.matmul %get3A_52, %get3A_55, %dot_general3A {dimension_numbers = #tpu.dot_dimension_numbers<[1], [0], [0], [1], [0, 0, 1, 1], [], []>, transpose_lhs_hint = false} : vector<1024x64xf32>, vector<64x192xf32>, vector<1024x192xf32> -> vector<1024x192xf32>
      %get3A_57 = arith.constant 0 : index
      %get3A_58 = arith.constant 0 : index
      %get3A_59 = vector.load %arg2[%get3A_57, %get3A_58] : memref<1x192xf32, #tpu.memory_space<vmem>>, vector<1x192xf32>
      %add3A = vector.broadcast %get3A_59 : vector<1x192xf32> to vector<1024x192xf32>
      %add3A_60 = arith.addf %dot_general3A_56, %add3A : vector<1024x192xf32>
      %slice3A = vector.extract_strided_slice %convert_element_type3A {offsets = [0, 0], sizes = [1024, 64], strides = [1, 1]} : vector<1024x192xf32> to vector<1024x64xf32>
      %slice3A_61 = vector.extract_strided_slice %add3A_60 {offsets = [0, 0], sizes = [1024, 64], strides = [1, 1]} : vector<1024x192xf32> to vector<1024x64xf32>
      %add3A_62 = arith.addf %slice3A, %slice3A_61 : vector<1024x64xf32>
      %logistic3A = arith.negf %add3A_62 : vector<1024x64xf32>
      %logistic3A_63 = math.exp %logistic3A : vector<1024x64xf32>
      %logistic3A_64 = arith.constant 1.000000e+00 : f32
      %logistic3A_65 = vector.broadcast %logistic3A_64 : f32 to vector<1024x64xf32>
      %logistic3A_66 = arith.addf %logistic3A_65, %logistic3A_63 : vector<1024x64xf32>
      %logistic3A_67 = arith.divf %logistic3A_65, %logistic3A_66 : vector<1024x64xf32>
      %slice3A_68 = vector.extract_strided_slice %convert_element_type3A {offsets = [0, 64], sizes = [1024, 64], strides = [1, 1]} : vector<1024x192xf32> to vector<1024x64xf32>
      %slice3A_69 = vector.extract_strided_slice %add3A_60 {offsets = [0, 64], sizes = [1024, 64], strides = [1, 1]} : vector<1024x192xf32> to vector<1024x64xf32>
      %add3A_70 = arith.addf %slice3A_68, %slice3A_69 : vector<1024x64xf32>
      %logistic3A_71 = arith.negf %add3A_70 : vector<1024x64xf32>
      %logistic3A_72 = math.exp %logistic3A_71 : vector<1024x64xf32>
      %logistic3A_73 = arith.constant 1.000000e+00 : f32
      %logistic3A_74 = vector.broadcast %logistic3A_73 : f32 to vector<1024x64xf32>
      %logistic3A_75 = arith.addf %logistic3A_74, %logistic3A_72 : vector<1024x64xf32>
      %logistic3A_76 = arith.divf %logistic3A_74, %logistic3A_75 : vector<1024x64xf32>
      %slice3A_77 = vector.extract_strided_slice %convert_element_type3A {offsets = [0, 128], sizes = [1024, 64], strides = [1, 1]} : vector<1024x192xf32> to vector<1024x64xf32>
      %slice3A_78 = vector.extract_strided_slice %add3A_60 {offsets = [0, 128], sizes = [1024, 64], strides = [1, 1]} : vector<1024x192xf32> to vector<1024x64xf32>
      %mul3A = arith.mulf %logistic3A_76, %slice3A_78 : vector<1024x64xf32>
      %add3A_79 = arith.addf %slice3A_77, %mul3A : vector<1024x64xf32>
      %tanh3A = math.tanh %add3A_79 : vector<1024x64xf32>
      %mul3A_80 = arith.mulf %logistic3A_67, %get3A_52 : vector<1024x64xf32>
      %sub3A_81 = arith.constant 1.000000e+00 : f32
      %sub3A_82 = vector.broadcast %sub3A_81 : f32 to vector<1024x64xf32>
      %sub3A_83 = arith.subf %sub3A_82, %logistic3A_67 : vector<1024x64xf32>
      %mul3A_84 = arith.mulf %sub3A_83, %tanh3A : vector<1024x64xf32>
      %add3A_85 = arith.addf %mul3A_80, %mul3A_84 : vector<1024x64xf32>
      %swap3A_86 = arith.constant 0 : index
      %swap3A_87 = arith.constant 0 : index
      %swap3A_88 = vector.load %arg9[%swap3A_86, %swap3A_87] : memref<1024x64xf32, #tpu.memory_space<vmem>>, vector<1024x64xf32>
      tpu.vector_store %arg9[%swap3A_86, %swap3A_87], %add3A_85 {strides = array<i32>} : memref<1024x64xf32, #tpu.memory_space<vmem>>, vector<1024x64xf32>,
    }
    %scan3A_6 = arith.constant 50 : i32
    %get3A = arith.constant 0 : index
    %get3A_7 = arith.constant 0 : index
    %get3A_8 = vector.load %arg3[%get3A, %get3A_7] : memref<1024x64xf32, #tpu.memory_space<vmem>>, vector<1024x64xf32>
    %swap3A_9 = arith.constant 0 : index
    %swap3A_10 = arith.constant 0 : index
    %swap3A_11 = vector.load %arg8[%swap3A_9, %swap3A_10] : memref<1024x331xf32, #tpu.memory_space<vmem>>, vector<1024x64xf32>
    tpu.vector_store %arg8[%swap3A_9, %swap3A_10], %get3A_8 {strides = array<i32>} : memref<1024x331xf32, #tpu.memory_space<vmem>>, vector<1024x64xf32>,
    %get3A_12 = arith.constant 0 : index
    %get3A_13 = arith.constant 0 : index
    %get3A_14 = vector.load %arg4[%get3A_12, %get3A_13] : memref<1024x64xf32, #tpu.memory_space<vmem>>, vector<1024x64xf32>
    %swap3A_15 = arith.constant 0 : index
    %swap3A_16 = arith.constant 64 : index
    %swap3A_17 = vector.load %arg8[%swap3A_15, %swap3A_16] : memref<1024x331xf32, #tpu.memory_space<vmem>>, vector<1024x64xf32>
    tpu.vector_store %arg8[%swap3A_15, %swap3A_16], %get3A_14 {strides = array<i32>} : memref<1024x331xf32, #tpu.memory_space<vmem>>, vector<1024x64xf32>,
    %get3A_18 = arith.constant 0 : index
    %get3A_19 = arith.constant 0 : index
    %get3A_20 = vector.load %arg5[%get3A_18, %get3A_19] : memref<1024x64xf32, #tpu.memory_space<vmem>>, vector<1024x64xf32>
    %swap3A_21 = arith.constant 0 : index
    %swap3A_22 = arith.constant 128 : index
    %swap3A_23 = vector.load %arg8[%swap3A_21, %swap3A_22] : memref<1024x331xf32, #tpu.memory_space<vmem>>, vector<1024x64xf32>
    tpu.vector_store %arg8[%swap3A_21, %swap3A_22], %get3A_20 {strides = array<i32>} : memref<1024x331xf32, #tpu.memory_space<vmem>>, vector<1024x64xf32>,
    %get3A_24 = arith.constant 0 : index
    %get3A_25 = arith.constant 0 : index
    %get3A_26 = vector.load %arg6[%get3A_24, %get3A_25] : memref<1024x11xf32, #tpu.memory_space<vmem>>, vector<1024x11xf32>
    %swap3A_27 = arith.constant 0 : index
    %swap3A_28 = arith.constant 192 : index
    %swap3A_29 = vector.load %arg8[%swap3A_27, %swap3A_28] : memref<1024x331xf32, #tpu.memory_space<vmem>>, vector<1024x11xf32>
    tpu.vector_store %arg8[%swap3A_27, %swap3A_28], %get3A_26 {strides = array<i32>} : memref<1024x331xf32, #tpu.memory_space<vmem>>, vector<1024x11xf32>,
    %get3A_30 = arith.constant 0 : index
    %get3A_31 = arith.constant 0 : index
    %get3A_32 = vector.load %arg7[%get3A_30, %get3A_31] : memref<1024x64xf32, #tpu.memory_space<vmem>>, vector<1024x64xf32>
    %swap3A_33 = arith.constant 0 : index
    %swap3A_34 = arith.constant 203 : index
    %swap3A_35 = vector.load %arg8[%swap3A_33, %swap3A_34] : memref<1024x331xf32, #tpu.memory_space<vmem>>, vector<1024x64xf32>
    tpu.vector_store %arg8[%swap3A_33, %swap3A_34], %get3A_32 {strides = array<i32>} : memref<1024x331xf32, #tpu.memory_space<vmem>>, vector<1024x64xf32>,
    %get3A_36 = arith.constant 0 : index
    %get3A_37 = arith.constant 0 : index
    %get3A_38 = vector.load %arg9[%get3A_36, %get3A_37] : memref<1024x64xf32, #tpu.memory_space<vmem>>, vector<1024x64xf32>
    %swap3A_39 = arith.constant 0 : index
    %swap3A_40 = arith.constant 267 : index
    %swap3A_41 = vector.load %arg8[%swap3A_39, %swap3A_40] : memref<1024x331xf32, #tpu.memory_space<vmem>>, vector<1024x64xf32>
    tpu.vector_store %arg8[%swap3A_39, %swap3A_40], %get3A_38 {strides = array<i32>} : memref<1024x331xf32, #tpu.memory_space<vmem>>, vector<1024x64xf32>,
    return
  }
}

</mosaic_0001>

<sc_bundles>
// kernel: kernel.6.cloned.1.call-start
scs
__scs_entry_jumppad:
0x0: {  	(pc) =	sbr.rel $0x88, $3  }
0x1: {  	(tag) =	ssettag $0x0;
	lr =	simm.s32 $0x1  }
0x2: {  	[smem:$0x3F87] =	sst lr;
	_ =	strace $0xD0000000  }
0x3: {  	_ = 	snop  }
0x4: {  	_ = 	snop  }
0x5: {  	_ = 	snop  }
0x6: {  	_ = 	snop  }
0x7: {  	_ = 	snop  }
__scs_overlays_trampoline_lowered:
0x8: {  	[smem:$0x3F96] =	sst s0  }
0x9: {  	[smem:$0x3F97] =	sst s1  }
0xa: {  	[smem:$0x3F98] =	sst s2  }
0xb: {  	[smem:$0x3F99] =	sst s3  }
0xc: {  	[smem:$0x3F9A] =	sst s4  }
0xd: {  	[smem:$0x3F9B] =	sst s5  }
0xe: {  	[smem:$0x3F9C] =	sst s6  }
0xf: {  	[smem:$0x3F9D] =	sst s7  }
0x10: {  	[smem:$0x3F9E] =	sst s8  }
0x11: {  	[smem:$0x3F9F] =	sst s9;
	s0 =	simm.s32 @!p0 $0x0  }
0x12: {  	s1 =	sld [smem:$0x3F85];
	s0 =	simm.s32 @p0 $0x1  }
0x13: {  	[smem:$0x3FA0] =	sst s0;
	s0 =	simm.s32 @!p1 $0x0  }
0x14: {  	s2 =	sld [smem:$0x3F84];
	s0 =	simm.s32 @p1 $0x1  }
0x15: {  	[smem:$0x3FA1] =	sst s0;
	s0 =	simm.s32 @!p2 $0x0  }
0x16: {  	s3 =	sld [smem:$0x3FDB];
	s0 =	simm.s32 @p2 $0x1  }
0x17: {  	s4 =	simm.s32 $0x1BF5;
	[smem:$0x3FA3] =	sst s0  }
0x18: {  	s0 =	sld [smem:$0x3F86];
	_ =	swait.ge [sflag:s4], $0x0  }
0x19: {  	s7 =	sld [smem:$0x3F87]  }
0x1a: {  	s8 =	sadd.s32 $0xFFFFE003, lr  }
0x1b: {  	s9 =	sadd.s32 $0xFFFFFEF7, lr;
	s5 =	simm.s32 $0xFFFFFFFF;
	p2 =	slt.u32 s8, $0xFFFFF086  }
0x1c: {  	p1 =	slt.u32 s9, $0xF7A;
	s5 =	simm.s32 @!p2 $0x0  }
0x1d: {  	s5 =	simm.s32 @p1 $0x1;
	p0 =	seq.s32 s7, s2  }
0x1e: {  	s7 =	smul.u32 @!p0 $0xF7A, s2;
	p2 =	seq.s32 @!p0 s5, $0x0  }
0x1f: {  	s9 =	smul.u32 $0xF7A, s1;
	s8 =	simm.s32 @!p0 $0x1BF5;
	p2 =	por !p2, p0  }
0x20: {  	[sflag:s8] =	ssyncset.s32 @!p0 $0xFFFFF086;
	s6 =	sadd.s32 @!p0 s3, s7;
	s7 =	simm.s32 @!p0 $0x108  }
0x21: {  	s3 =	sadd.s32 s3, s9;
	s6 =	sadd.s32 @!p0 $0x88, s6;
	s7 =	simm.s32 @p2 $0x1082  }
0x22: {  	[simem:s7], [sflag:s8] =	dma.local @!p0 [hbm:s6], $0xF7A  }
0x23: {  	s9 =	sor.u32 $0xD0000000, s2;
	s6 =	simm.s32 $0x108;
	_ =	swait.ge @!p0 [sflag:s8], $0x0  }
0x24: {  	s3 =	sadd.s32 $0x88, s3;
	s6 =	simm.s32 @!p1 $0x1082;
	[sflag:s4] =	ssyncset.s32 $0xFFFFF086  }
0x25: {  	[simem:s6], [sflag:s4] =	dma.local [hbm:s3], $0xF7A  }
0x26: {  	[smem:$0x3F87] =	sst s1;
	(tag) =	ssettag s2;
	_ =	strace s9  }
0x27: {  	s1 =	sld [smem:$0x3F97]  }
0x28: {  	s2 =	sld [smem:$0x3F98]  }
0x29: {  	s4 =	sld [smem:$0x3F9A]  }
0x2a: {  	p0 =	seq.s32 s5, $0x0;
	s5 =	sld [smem:$0x3F9B]  }
0x2b: {  	s6 =	sld [smem:$0x3F9C]  }
0x2c: {  	s7 =	sld [smem:$0x3F9D]  }
0x2d: {  	s3 =	simm.s32 $0x108;
	s8 =	sld [smem:$0x3F9E]  }
0x2e: {  	s3 =	simm.s32 @!p0 $0x1082;
	s9 =	sld [smem:$0x3F9F]  }
0x2f: {  	lr =	sadd.s32 s0, s3;
	s0 =	sld [smem:$0x3F96]  }
0x30: {  	s3 =	sld [smem:$0x3F99]  }
0x31: {  	[smem:$0x3FA2] =	sst s10  }
0x32: {  	s10 =	sld [smem:$0x3FA0];
	_ =	sdelay $0x3  }
0x33: {  	p0 =	seq.s32 s10, $0x1;
	s10 =	sld [smem:$0x3FA2];
	_ =	sdelay $0x3  }
0x34: {  	[smem:$0x3FA2] =	sst s10  }
0x35: {  	s10 =	sld [smem:$0x3FA1];
	_ =	sdelay $0x3  }
0x36: {  	p1 =	seq.s32 s10, $0x1;
	s10 =	sld [smem:$0x3FA2];
	_ =	sdelay $0x3  }
0x37: {  	[smem:$0x3FA2] =	sst s10  }
0x38: {  	s10 =	sld [smem:$0x3FA3]  }
0x39: {  	_ = 	snop;
	(pc) =	sbr.ind lr, $3  }
0x3a: {  	_ = 	snop  }
0x3b: {  	_ = 	snop  }
0x3c: {  	p2 =	seq.s32 s10, $0x1;
	s10 =	sld [smem:$0x3FA2]  }
0x3d: {  	_ =	shalt  }
0x3e: {  	_ =	shalt  }
0x3f: {  	_ =	shalt  }
0x40: {  	_ =	shalt  }
0x41: {  	_ =	shalt  }
0x42: {  	_ =	shalt  }
0x43: {  	_ =	shalt  }
0x44: {  	_ =	shalt  }
0x45: {  	_ =	shalt  }
0x46: {  	_ =	shalt  }
0x47: {  	_ =	shalt  }
0x48: {  	_ =	shalt  }
0x49: {  	_ =	shalt  }
0x4a: {  	_ =	shalt  }
0x4b: {  	_ =	shalt  }
0x4c: {  	_ =	shalt  }
0x4d: {  	_ =	shalt  }
0x4e: {  	_ =	shalt  }
0x4f: {  	_ =	shalt  }
0x50: {  	_ =	shalt  }
0x51: {  	_ =	shalt  }
0x52: {  	_ =	shalt  }
0x53: {  	_ =	shalt  }
0x54: {  	_ =	shalt  }
0x55: {  	_ =	shalt  }
0x56: {  	_ =	shalt  }
0x57: {  	_ =	shalt  }
0x58: {  	_ =	shalt  }
0x59: {  	_ =	shalt  }
0x5a: {  	_ =	shalt  }
0x5b: {  	_ =	shalt  }
0x5c: {  	_ =	shalt  }
0x5d: {  	_ =	shalt  }
0x5e: {  	_ =	shalt  }
0x5f: {  	_ =	shalt  }
0x60: {  	_ =	shalt  }
0x61: {  	_ =	shalt  }
0x62: {  	_ =	shalt  }
0x63: {  	_ =	shalt  }
0x64: {  	_ =	shalt  }
0x65: {  	_ =	shalt  }
0x66: {  	_ =	shalt  }
0x67: {  	_ =	shalt  }
0x68: {  	_ =	shalt  }
0x69: {  	_ =	shalt  }
0x6a: {  	_ =	shalt  }
0x6b: {  	_ =	shalt  }
0x6c: {  	_ =	shalt  }
0x6d: {  	_ =	shalt  }
0x6e: {  	_ =	shalt  }
0x6f: {  	_ =	shalt  }
0x70: {  	_ =	shalt  }
0x71: {  	_ =	shalt  }
0x72: {  	_ =	shalt  }
0x73: {  	_ =	shalt  }
0x74: {  	_ =	shalt  }
0x75: {  	_ =	shalt  }
0x76: {  	_ =	shalt  }
0x77: {  	_ =	shalt  }
0x78: {  	_ =	shalt  }
0x79: {  	_ =	shalt  }
0x7a: {  	_ =	shalt  }
0x7b: {  	_ =	shalt  }
0x7c: {  	_ =	shalt  }
0x7d: {  	_ =	shalt  }
0x7e: {  	_ =	shalt  }
0x7f: {  	_ =	shalt  }
0x80: {  	_ =	shalt  }
0x81: {  	_ =	shalt  }
0x82: {  	_ =	shalt  }
0x83: {  	_ =	shalt  }
0x84: {  	_ =	shalt  }
0x85: {  	_ =	shalt  }
0x86: {  	_ =	shalt  }
0x87: {  	_ =	shalt  }
.Lfunc_end0:
.L_simem_size_0:
called_computation_lowered:
.L_overlay_start_0:
0x88: {  	s2 =	sld [smem:$0x3FD9]  }
0x89: {  	s3 =	sld [smem:$0x3FFE];
	_ =	sdelay $0x1  }
0x8a: {  	s1 =	srdreg.scid  }
0x8b: {  	s0 =	sand.u32 $0x1, s1  }
0x8c: {  	s17 =	sshll.u32 s0, $0xA;
	s2 =	sadd.s32 s3, s2  }
0x8d: {  	s2 =	sadd.s32 s2, s17  }
0x8e: {  	[smem:$0x3FAE] =	sst s2  }
0x8f: {  	_ = 	snop  }
0x90: {  	s2 =	sld [smem:$0x3FC3]  }
0x91: {  	s18 =	sld [smem:$0x3FD0];
	(tm) =	ssettm $0x1  }
0x92: {  	s4 =	sld [smem:$0x3FFB];
	_ =	sdelay $0x3  }
0x93: {  	_ =	strace s4  }
0x94: {  	s4 =	sld [smem:$0x3FFC];
	_ =	sdelay $0x3  }
0x95: {  	_ =	strace s4  }
0x96: {  	s4 =	sld [smem:$0x3FFD];
	_ =	sdelay $0x3  }
0x97: {  	_ =	strace s4  }
0x98: {  	_ =	strace $0x8FFFFFFF  }
0x99: {  	s19 =	sld [smem:$0x3FDB];
	_ =	sdelay $0x1  }
0x9a: {  	s5 =	simm.s32 $_scs_section_size  }
0x9b: {  	s6 =	simm.s32 $_size__tile_overlayer_lowered;
	s7 =	simm.s32 $_tile_overlayer_lowered  }
0x9c: {  	s22 =	simm.s32 $0x1BFF;
	s21 =	sshll.u32 s7, $0x1;
	s4 =	sadd.s32 s5, s19  }
0x9d: {  	s8 =	simm.s32 $0x0;
	s20 =	sshll.u32 s6, $0x1;
	s6 =	sadd.s32 s21, s4  }
0x9e: {  	[timem:s8], [sflag:s22] =	dma.local [hbm:s6], s20  }
0x9f: {  	_ =	swait.ge [sflag:s22], s20  }
0xa0: {  	s5 =	ssub.s32 $0x0, s20;
	[sflag:s22] =	ssyncset.done $0x0  }
0xa1: {  	[sflag:s22] =	ssyncadd.s32 s5;
	_ =	sdelay $0x1  }
0xa2: {  	s23 =	simm.s32 $0x1B8B  }
0xa3: {  	_ =	swait.ge [sflag:s23], $0x1  }
0xa4: {  	[sflag:s23] =	ssyncset.done $0x0  }
0xa5: {  	s25 =	simm.s32 $0x1B8E;
	s24 =	sld [smem:$0x3FFE];
	[sflag:s23] =	ssyncadd.s32 $0xFFFFFFFF  }
0xa6: {  	s26 =	simm.s32 $execute0_lowered;
	[smem:$0x3FD2] =	sst s25  }
0xa7: {  	s6 =	sshll.u32 s26, $0x1;
	_ =	strace $0x80000046;
	[dreg:$0x1] =	wrdreg $0xFFFFFFFF  }
0xa8: {  	s28 =	simm.s32 $_size_execute0_lowered;
	s4 =	sadd.s32 s4, s6;
	[dreg:$0x0] =	wrdreg $0x0  }
0xa9: {  	s6 =	sshll.u32 s28, $0x1;
	[dreg:$0x2] =	wrdreg s4  }
0xaa: {  	[dreg:$0x3] =	wrdreg s6  }
0xab: {  	[dreg:$0x4] =	wrdreg $0xC0  }
0xac: {  	_ =	task [dreg:s8], $0x5FFFF  }
0xad: {  	[dreg:$0x1] =	wrdreg $0xFFFFFFFF  }
0xae: {  	[dreg:$0x0] =	wrdreg $0x60  }
0xaf: {  	[dreg:$0x2] =	wrdreg s24  }
0xb0: {  	[dreg:$0x3] =	wrdreg s2  }
0xb1: {  	[dreg:$0x4] =	wrdreg s18  }
0xb2: {  	[dreg:$0x5] =	wrdreg $0x9  }
0xb3: {  	_ =	task.clear_ibuf [dreg:s8], $0x6FFFF;
	_ =	strace $0x90000046  }
0xb4: {  	s29 =	simm.s32 $0x9;
	_ =	strace $0x80000048  }
0xb5: {  	_ =	swait.ge [sflag:s29], $0x1  }
0xb6: {  	[sflag:s29] =	ssyncadd.s32 $0xFFFFFFFF  }
0xb7: {  	_ =	strace $0x90000048  }
0xb8: {  	_ =	sfence  }
0xb9: {  	s30 =	sld [smem:$0x0];
	_ =	sdelay $0x2  }
0xba: {  	s31 =	sshll.u32 s1, $0xD;
	s1 =	sshrl.u32 s1, $0x2  }
0xbb: {  	s3 =	sand.u32 $0x4000, s31;
	s1 =	sadd.s32 s1, s30  }
0xbc: {  	s0 =	sor.u32 s3, s0;
	s1 =	sshll.u32 s1, $0x11  }
0xbd: {  	s0 =	sor.u32 s1, s0  }
0xbe: {  	s0 =	sadd.s32 $0x8F2B, s0  }
0xbf: {  	[sflag:s0] =	ssyncadd.remote.s32 $0x1  }
0xc0: {  	_ =	sfence.sel $0xFFFF  }
0xc1: {  	[dreg:$0x0] =	wrdreg $0xFFFFFFFF;
	(pc) =	sbr.abs _section_cstart, $3  }
0xc2: {  	[dreg:$0x1] =	wrdreg $0xFFFFFFFF  }
0xc3: {  	_ =	task.clear_ibuf [dreg:s8], $0x2FFFF;
	_ =	strace $0x9FFFFFFF  }
0xc4: {  	(tm) =	ssettm $0x7FFFFFFF  }
0xc5: {  	_ =	shalt  }
tec
execute0_lowered:
.L_overlay_start_1:
0x0: {  	(tag) =	ssettag $0x1  }
0x1: {  	s1 =	rddreg [dreg:$0x0];
	s2 =	srdreg.scid  }
0x2: {  	s0 =	stileid.u32;
	s3 =	rddreg [dreg:$0x1]  }
0x3: {  	s6 =	rddreg [dreg:$0x2];
	s22 =	simm.s32 $0x2640;
	s23 =	simm.s32 $0x100  }
0x4: {  	s24 =	simm.s32 $0x4640;
	s14 =	simm.s32 $0xA640;
	s15 =	simm.s32 $0x300  }
0x5: {  	s16 =	simm.s32 $0xC640;
	s17 =	simm.s32 $0x380;
	s18 =	simm.s32 $0xE640  }
0x6: {  	s19 =	simm.s32 $0x400;
	s20 =	simm.s32 $0x10640;
	s21 =	simm.s32 $0x480  }
0x7: {  	s28 =	simm.s32 $0x16640;
	p0 =	por $0x0, $0x0;
	s29 =	simm.s32 $0x600  }
0x8: {  	s30 =	simm.s32 $0x18640;
	s31 =	simm.s32 $0x20;
	s4 =	sand.u32 $0x1, s2  }
0x9: {  	s25 =	sshll.u32 s0, $0x1;
	s2 =	simm.s32 $0x0;
	s5 =	sadd.s32 $0x5400, s1  }
0xa: {  	s10 =	sadd.s32 $0x18C000, s1;
	s7 =	sor.u32 s4, s25;
	[smem:$0x7FF] =	sst s2  }
0xb: {  	s4 =	ssub.s32 $0x2, s4;
	_ =	strace $0x80000047;
	[dreg:$0x4] =	wrdreg s10  }
0xc: {  	s25 =	simm.s32 $0x180;
	s8 =	smul.u32 $0xC8, s7;
	[dreg:$0x9] =	wrdreg s22  }
0xd: {  	s9 =	smul.u32 $0x3200, s7;
	s26 =	sshll.u32 s7, $0x2;
	[dreg:$0xa] =	wrdreg s23  }
0xe: {  	s0 =	sshrl.u32 s4, $0x1;
	s11 =	sshll.u32 s7, $0x8;
	[dreg:$0xb] =	wrdreg s24  }
0xf: {  	s10 =	simm.s32 $0x80;
	[dreg:$0xc] =	wrdreg s25;
	s22 =	simm.s32 $0x12640  }
0x10: {  	s23 =	simm.s32 $0x500;
	s24 =	simm.s32 $0x14640;
	s25 =	simm.s32 $0x580  }
0x11: {  	s7 =	simm.s32 $0x2;
	s3 =	sadd.s32 s3, s26;
	s4 =	ssub.s32 s4, s0  }
0x12: {  	s12 =	sadd.s32 s6, s11;
	s26 =	simm.s32 $0x6640;
	s13 =	smax.u32 s4, $0x1  }
0x13: {  	s6 =	simm.s32 $0x19660;
	s8 =	sadd.s32 s8, s1;
	p1 =	sne.s32 s13, $0x1  }
.Ltmp0:
0x14: {  	s1 =	sadd.s32 s9, s1;
	[dreg:$0x6] =	wrdreg s3;
	(pc) =	sbr.rel @!p1 .LBB2_3-.Ltmp0, $4  }
0x15: {  	[dreg:$0x8] =	wrdreg s12;
	s3 =	simm.s32 $0x3;
	s9 =	simm.s32 $0x19640  }
0x16: {  	s4 =	simm.s32 $0x640;
	[dreg:$0xd] =	wrdreg s26;
	s8 =	sadd.s32 $0x7400, s8  }
0x17: {  	s26 =	simm.s32 $0x40;
	s1 =	sadd.s32 $0x8E00, s1;
	[dreg:$0x5] =	wrdreg s8  }
0x18: {  	s11 =	sadd.s32 $0xFFFFFFFF, s13;
	[dreg:$0x7] =	wrdreg s1;
	s8 =	simm.s32 $0x1  }
0x19: {  	s0 =	rddreg [dreg:$0x5]  }
0x1a: {  	[tilespmem:s2], [sflag:$0x3] =	stream.linear.gather [hbm4b:s0+s2], $0x640, $0x38;
	[tilespmem:$0x19E60] =	vst v63  }
0x1b: {  	_ =	swait.ge [sflag:s3], $0x640  }
0x1c: {  	[sflag:s3] =	ssyncset.done $0x0  }
0x1d: {  	s1 =	rddreg [dreg:$0x6];
	[sflag:s3] =	ssyncadd.s32 $0xFFFFF9C0  }
0x1e: {  	[tilespmem:s9], [sflag:$0x3] =	stream.linear.gather [hbm4b:s1+s2], $0x20, $0x38;
	[tilespmem:$0x19E60] =	vst v63  }
0x1f: {  	_ =	swait.ge [sflag:s3], $0x20  }
0x20: {  	s12 =	rddreg [dreg:$0xa]  }
0x21: {  	s1 =	rddreg [dreg:$0x9]  }
0x22: {  	s13 =	rddreg [dreg:$0xb]  }
0x23: {  	s0 =	rddreg [dreg:$0xd]  }
0x24: {  	[sflag:s3] =	ssyncset.done $0x0;
	[dreg:$0xe] =	wrdreg s12  }
0x25: {  	[sflag:s3] =	ssyncadd.s32 $0xFFFFFFE0;
	[dreg:$0xf] =	wrdreg s13  }
0x26: {  	[tilespmem:s4], [sflag:$0x1] =	stream.indirect.gather [hbm4b:s5+s10], $0x40, s2, s10, $0xb8;
	[tilespmem:$0x19E60] =	vst v63  }
0x27: {  	s12 =	rddreg [dreg:$0xe]  }
0x28: {  	[tilespmem:s1], [sflag:$0x1] =	stream.indirect.gather [hbm4b:s5+s10], $0x40, s10, s10, $0xb8;
	[tilespmem:$0x19E60] =	vst v63  }
0x29: {  	s13 =	rddreg [dreg:$0xf]  }
0x2a: {  	[tilespmem:s13], [sflag:$0x1] =	stream.indirect.gather [hbm4b:s5+s10], $0x40, s12, s10, $0xb8;
	[tilespmem:$0x19E60] =	vst v63  }
0x2b: {  	s1 =	rddreg [dreg:$0xc]  }
0x2c: {  	[tilespmem:s0], [sflag:$0x1] =	stream.indirect.gather [hbm4b:s5+s10], $0x40, s1, s10, $0xb8;
	[tilespmem:$0x19E60] =	vst v63  }
0x2d: {  	s12 =	simm.s32 $0x8640;
	s1 =	simm.s32 $0x200  }
0x2e: {  	[tilespmem:s12], [sflag:$0x1] =	stream.indirect.gather [hbm4b:s5+s10], $0x40, s1, s10, $0xb8;
	[tilespmem:$0x19E60] =	vst v63  }
0x2f: {  	s13 =	simm.s32 $0x280  }
0x30: {  	[tilespmem:s14], [sflag:$0x1] =	stream.indirect.gather [hbm4b:s5+s10], $0x40, s13, s10, $0xb8;
	[tilespmem:$0x19E60] =	vst v63  }
0x31: {  	_ = 	snop  }
0x32: {  	[tilespmem:s16], [sflag:$0x1] =	stream.indirect.gather [hbm4b:s5+s10], $0x40, s15, s10, $0xb8;
	[tilespmem:$0x19E60] =	vst v63  }
0x33: {  	_ = 	snop  }
0x34: {  	[tilespmem:s18], [sflag:$0x1] =	stream.indirect.gather [hbm4b:s5+s10], $0x40, s17, s10, $0xb8;
	[tilespmem:$0x19E60] =	vst v63  }
0x35: {  	_ = 	snop  }
0x36: {  	[tilespmem:s20], [sflag:$0x1] =	stream.indirect.gather [hbm4b:s5+s10], $0x40, s19, s10, $0xb8;
	[tilespmem:$0x19E60] =	vst v63  }
0x37: {  	_ = 	snop  }
0x38: {  	[tilespmem:s22], [sflag:$0x1] =	stream.indirect.gather [hbm4b:s5+s10], $0x40, s21, s10, $0xb8;
	[tilespmem:$0x19E60] =	vst v63  }
0x39: {  	_ = 	snop  }
0x3a: {  	[tilespmem:s24], [sflag:$0x1] =	stream.indirect.gather [hbm4b:s5+s10], $0x40, s23, s10, $0xb8;
	[tilespmem:$0x19E60] =	vst v63  }
0x3b: {  	_ = 	snop  }
0x3c: {  	[tilespmem:s28], [sflag:$0x1] =	stream.indirect.gather [hbm4b:s5+s10], $0x40, s25, s10, $0xb8;
	[tilespmem:$0x19E60] =	vst v63  }
0x3d: {  	_ = 	snop  }
0x3e: {  	[tilespmem:s30], [sflag:$0x1] =	stream.indirect.gather [hbm4b:s5+s26], $0x40, s29, s26, $0xb8;
	[tilespmem:$0x19E60] =	vst v63  }
0x3f: {  	s1 =	rddreg [dreg:$0x4]  }
0x40: {  	[tilespmem:s6], [sflag:$0x2] =	stream.indirect.gather [hbm4b:s1+s31], $0x40, s9, s31, $0xb8;
	[tilespmem:$0x19E60] =	vst v63  }
0x41: {  	_ =	swait.ge [sflag:s8], $0x2000  }
0x42: {  	[sflag:s8] =	ssyncset.done $0x0  }
0x43: {  	[sflag:s8] =	ssyncadd.s32 $0xFFFFE000  }
0x44: {  	_ =	swait.ge [sflag:s8], $0x2000  }
0x45: {  	[sflag:s8] =	ssyncset.done $0x0  }
0x46: {  	[sflag:s8] =	ssyncadd.s32 $0xFFFFE000  }
0x47: {  	_ =	swait.ge [sflag:s8], $0x2000  }
0x48: {  	[sflag:s8] =	ssyncset.done $0x0  }
0x49: {  	[sflag:s8] =	ssyncadd.s32 $0xFFFFE000  }
0x4a: {  	_ =	swait.ge [sflag:s8], $0x2000  }
0x4b: {  	[sflag:s8] =	ssyncset.done $0x0  }
0x4c: {  	[sflag:s8] =	ssyncadd.s32 $0xFFFFE000  }
0x4d: {  	_ =	swait.ge [sflag:s8], $0x2000  }
0x4e: {  	[sflag:s8] =	ssyncset.done $0x0  }
0x4f: {  	[sflag:s8] =	ssyncadd.s32 $0xFFFFE000  }
0x50: {  	_ =	swait.ge [sflag:s8], $0x2000  }
0x51: {  	[sflag:s8] =	ssyncset.done $0x0  }
0x52: {  	[sflag:s8] =	ssyncadd.s32 $0xFFFFE000  }
0x53: {  	_ =	swait.ge [sflag:s8], $0x2000  }
0x54: {  	[sflag:s8] =	ssyncset.done $0x0  }
0x55: {  	[sflag:s8] =	ssyncadd.s32 $0xFFFFE000  }
0x56: {  	_ =	swait.ge [sflag:s8], $0x2000  }
0x57: {  	[sflag:s8] =	ssyncset.done $0x0  }
0x58: {  	[sflag:s8] =	ssyncadd.s32 $0xFFFFE000  }
0x59: {  	_ =	swait.ge [sflag:s8], $0x2000  }
0x5a: {  	[sflag:s8] =	ssyncset.done $0x0  }
0x5b: {  	[sflag:s8] =	ssyncadd.s32 $0xFFFFE000  }
0x5c: {  	_ =	swait.ge [sflag:s8], $0x2000  }
0x5d: {  	[sflag:s8] =	ssyncset.done $0x0  }
0x5e: {  	[sflag:s8] =	ssyncadd.s32 $0xFFFFE000  }
0x5f: {  	_ =	swait.ge [sflag:s8], $0x2000  }
0x60: {  	[sflag:s8] =	ssyncset.done $0x0  }
0x61: {  	[sflag:s8] =	ssyncadd.s32 $0xFFFFE000  }
0x62: {  	_ =	swait.ge [sflag:s8], $0x2000  }
0x63: {  	[sflag:s8] =	ssyncset.done $0x0  }
0x64: {  	[sflag:s8] =	ssyncadd.s32 $0xFFFFE000  }
0x65: {  	_ =	swait.ge [sflag:s8], $0x1000  }
0x66: {  	[sflag:s8] =	ssyncset.done $0x0  }
0x67: {  	[sflag:s8] =	ssyncadd.s32 $0xFFFFF000  }
0x68: {  	_ =	swait.ge [sflag:s7], $0x800  }
0x69: {  	[sflag:s7] =	ssyncset.done $0x0  }
0x6a: {  	p1 =	sne.s32 s11, $0x1;
	s12 =	rddreg [dreg:$0x7];
	[sflag:s7] =	ssyncadd.s32 $0xFFFFF800  }
0x6b: {  	[hbm4b:s12+s2] =	stream.linear.scatter [tilespmem:s4], [sflag:$0x3], $0x19000, $0x38;
	[tilespmem:$0x19E60] =	vst v63  }
.Ltmp1:
0x6c: {  	_ =	swait.ge [sflag:s3], $0x19000;
	(pc) =	sbr.rel @!p1 .LBB2_3-.Ltmp1, $4  }
0x6d: {  	[sflag:s3] =	ssyncset.done $0x0  }
0x6e: {  	s13 =	rddreg [dreg:$0x8];
	[sflag:s3] =	ssyncadd.s32 $0xFFFE7000  }
0x6f: {  	[hbm4b:s13+s2] =	stream.linear.scatter [tilespmem:s6], [sflag:$0x3], $0x800, $0x38;
	[tilespmem:$0x19E60] =	vst v63  }
0x70: {  	p0 =	por $0x1, $0x1;
	s1 =	sadd.s32 $0xFFFFFFFF, s11;
	_ =	swait.ge [sflag:s3], $0x800  }
.LBB2_2:
0x71: {  	[sflag:s3] =	ssyncset.done $0x0  }
0x72: {  	s0 =	rddreg [dreg:$0x5];
	[sflag:s3] =	ssyncadd.s32 $0xFFFFF800  }
0x73: {  	[tilespmem:s2], [sflag:$0x3] =	stream.linear.gather [hbm4b:s0+s2], $0x640, $0x38;
	[tilespmem:$0x19E60] =	vst v63  }
0x74: {  	_ =	swait.ge [sflag:s3], $0x640  }
0x75: {  	[sflag:s3] =	ssyncset.done $0x0  }
0x76: {  	s13 =	rddreg [dreg:$0x6];
	[sflag:s3] =	ssyncadd.s32 $0xFFFFF9C0  }
0x77: {  	[tilespmem:s9], [sflag:$0x3] =	stream.linear.gather [hbm4b:s13+s2], $0x20, $0x38;
	[tilespmem:$0x19E60] =	vst v63  }
0x78: {  	_ =	swait.ge [sflag:s3], $0x20  }
0x79: {  	[sflag:s3] =	ssyncset.done $0x0;
	s0 =	rddreg [dreg:$0xa]  }
0x7a: {  	s11 =	rddreg [dreg:$0x9];
	[sflag:s3] =	ssyncadd.s32 $0xFFFFFFE0  }
0x7b: {  	[tilespmem:s4], [sflag:$0x1] =	stream.indirect.gather [hbm4b:s5+s10], $0x40, s2, s10, $0xb8;
	[tilespmem:$0x19E60] =	vst v63  }
0x7c: {  	s12 =	rddreg [dreg:$0xb]  }
0x7d: {  	[tilespmem:s11], [sflag:$0x1] =	stream.indirect.gather [hbm4b:s5+s10], $0x40, s10, s10, $0xb8;
	[tilespmem:$0x19E60] =	vst v63  }
0x7e: {  	s13 =	rddreg [dreg:$0xd]  }
0x7f: {  	[tilespmem:s12], [sflag:$0x1] =	stream.indirect.gather [hbm4b:s5+s10], $0x40, s0, s10, $0xb8;
	[tilespmem:$0x19E60] =	vst v63  }
0x80: {  	s11 =	rddreg [dreg:$0xc]  }
0x81: {  	[tilespmem:s13], [sflag:$0x1] =	stream.indirect.gather [hbm4b:s5+s10], $0x40, s11, s10, $0xb8;
	[tilespmem:$0x19E60] =	vst v63  }
0x82: {  	s0 =	simm.s32 $0x8640;
	s13 =	simm.s32 $0x200  }
0x83: {  	[tilespmem:s0], [sflag:$0x1] =	stream.indirect.gather [hbm4b:s5+s10], $0x40, s13, s10, $0xb8;
	[tilespmem:$0x19E60] =	vst v63  }
0x84: {  	s11 =	simm.s32 $0x280  }
0x85: {  	[tilespmem:s14], [sflag:$0x1] =	stream.indirect.gather [hbm4b:s5+s10], $0x40, s11, s10, $0xb8;
	[tilespmem:$0x19E60] =	vst v63  }
0x86: {  	_ = 	snop  }
0x87: {  	[tilespmem:s16], [sflag:$0x1] =	stream.indirect.gather [hbm4b:s5+s10], $0x40, s15, s10, $0xb8;
	[tilespmem:$0x19E60] =	vst v63  }
0x88: {  	_ = 	snop  }
0x89: {  	[tilespmem:s18], [sflag:$0x1] =	stream.indirect.gather [hbm4b:s5+s10], $0x40, s17, s10, $0xb8;
	[tilespmem:$0x19E60] =	vst v63  }
0x8a: {  	_ = 	snop  }
0x8b: {  	[tilespmem:s20], [sflag:$0x1] =	stream.indirect.gather [hbm4b:s5+s10], $0x40, s19, s10, $0xb8;
	[tilespmem:$0x19E60] =	vst v63  }
0x8c: {  	_ = 	snop  }
0x8d: {  	[tilespmem:s22], [sflag:$0x1] =	stream.indirect.gather [hbm4b:s5+s10], $0x40, s21, s10, $0xb8;
	[tilespmem:$0x19E60] =	vst v63  }
0x8e: {  	_ = 	snop  }
0x8f: {  	[tilespmem:s24], [sflag:$0x1] =	stream.indirect.gather [hbm4b:s5+s10], $0x40, s23, s10, $0xb8;
	[tilespmem:$0x19E60] =	vst v63  }
0x90: {  	_ = 	snop  }
0x91: {  	[tilespmem:s28], [sflag:$0x1] =	stream.indirect.gather [hbm4b:s5+s10], $0x40, s25, s10, $0xb8;
	[tilespmem:$0x19E60] =	vst v63  }
0x92: {  	_ = 	snop  }
0x93: {  	[tilespmem:s30], [sflag:$0x1] =	stream.indirect.gather [hbm4b:s5+s26], $0x40, s29, s26, $0xb8;
	[tilespmem:$0x19E60] =	vst v63  }
0x94: {  	s11 =	rddreg [dreg:$0x4]  }
0x95: {  	[tilespmem:s6], [sflag:$0x2] =	stream.indirect.gather [hbm4b:s11+s31], $0x40, s9, s31, $0xb8;
	[tilespmem:$0x19E60] =	vst v63  }
0x96: {  	_ =	swait.ge [sflag:s8], $0x2000  }
0x97: {  	[sflag:s8] =	ssyncset.done $0x0  }
0x98: {  	[sflag:s8] =	ssyncadd.s32 $0xFFFFE000  }
0x99: {  	_ =	swait.ge [sflag:s8], $0x2000  }
0x9a: {  	[sflag:s8] =	ssyncset.done $0x0  }
0x9b: {  	[sflag:s8] =	ssyncadd.s32 $0xFFFFE000  }
0x9c: {  	_ =	swait.ge [sflag:s8], $0x2000  }
0x9d: {  	[sflag:s8] =	ssyncset.done $0x0  }
0x9e: {  	[sflag:s8] =	ssyncadd.s32 $0xFFFFE000  }
0x9f: {  	_ =	swait.ge [sflag:s8], $0x2000  }
0xa0: {  	[sflag:s8] =	ssyncset.done $0x0  }
0xa1: {  	[sflag:s8] =	ssyncadd.s32 $0xFFFFE000  }
0xa2: {  	_ =	swait.ge [sflag:s8], $0x2000  }
0xa3: {  	[sflag:s8] =	ssyncset.done $0x0  }
0xa4: {  	[sflag:s8] =	ssyncadd.s32 $0xFFFFE000  }
0xa5: {  	_ =	swait.ge [sflag:s8], $0x2000  }
0xa6: {  	[sflag:s8] =	ssyncset.done $0x0  }
0xa7: {  	[sflag:s8] =	ssyncadd.s32 $0xFFFFE000  }
0xa8: {  	_ =	swait.ge [sflag:s8], $0x2000  }
0xa9: {  	[sflag:s8] =	ssyncset.done $0x0  }
0xaa: {  	[sflag:s8] =	ssyncadd.s32 $0xFFFFE000  }
0xab: {  	_ =	swait.ge [sflag:s8], $0x2000  }
0xac: {  	[sflag:s8] =	ssyncset.done $0x0  }
0xad: {  	[sflag:s8] =	ssyncadd.s32 $0xFFFFE000  }
0xae: {  	_ =	swait.ge [sflag:s8], $0x2000  }
0xaf: {  	[sflag:s8] =	ssyncset.done $0x0  }
0xb0: {  	[sflag:s8] =	ssyncadd.s32 $0xFFFFE000  }
0xb1: {  	_ =	swait.ge [sflag:s8], $0x2000  }
0xb2: {  	[sflag:s8] =	ssyncset.done $0x0  }
0xb3: {  	[sflag:s8] =	ssyncadd.s32 $0xFFFFE000  }
0xb4: {  	_ =	swait.ge [sflag:s8], $0x2000  }
0xb5: {  	[sflag:s8] =	ssyncset.done $0x0  }
0xb6: {  	[sflag:s8] =	ssyncadd.s32 $0xFFFFE000  }
0xb7: {  	_ =	swait.ge [sflag:s8], $0x2000  }
0xb8: {  	[sflag:s8] =	ssyncset.done $0x0  }
0xb9: {  	[sflag:s8] =	ssyncadd.s32 $0xFFFFE000  }
0xba: {  	_ =	swait.ge [sflag:s8], $0x1000  }
0xbb: {  	[sflag:s8] =	ssyncset.done $0x0  }
0xbc: {  	[sflag:s8] =	ssyncadd.s32 $0xFFFFF000  }
0xbd: {  	_ =	swait.ge [sflag:s7], $0x800  }
0xbe: {  	[sflag:s7] =	ssyncset.done $0x0  }
0xbf: {  	p1 =	sne.s32 s1, $0x1;
	s12 =	rddreg [dreg:$0x7];
	[sflag:s7] =	ssyncadd.s32 $0xFFFFF800  }
0xc0: {  	[hbm4b:s12+s2] =	stream.linear.scatter [tilespmem:s4], [sflag:$0x3], $0x19000, $0x38;
	[tilespmem:$0x19E60] =	vst v63  }
.Ltmp2:
0xc1: {  	_ =	swait.ge [sflag:s3], $0x19000;
	(pc) =	sbr.rel @p1 .LBB2_2-.Ltmp2, $4  }
0xc2: {  	[sflag:s3] =	ssyncset.done $0x0  }
0xc3: {  	s13 =	rddreg [dreg:$0x8];
	[sflag:s3] =	ssyncadd.s32 $0xFFFE7000  }
0xc4: {  	[hbm4b:s13+s2] =	stream.linear.scatter [tilespmem:s6], [sflag:$0x3], $0x800, $0x38;
	[tilespmem:$0x19E60] =	vst v63  }
0xc5: {  	s1 =	sadd.s32 $0xFFFFFFFF, s1;
	_ =	swait.ge [sflag:s3], $0x800  }
.LBB2_3:
0xc6: {  	[sflag:s3] =	ssyncset.done @p0 $0x0  }
0xc7: {  	s0 =	rddreg [dreg:$0x5];
	[sflag:s3] =	ssyncadd.s32 @p0 $0xFFFFF800  }
0xc8: {  	[tilespmem:s2], [sflag:$0x3] =	stream.linear.gather [hbm4b:s0+s2], $0x640, $0x38;
	[tilespmem:$0x19E60] =	vst v63  }
0xc9: {  	_ =	swait.ge [sflag:s3], $0x640  }
0xca: {  	[sflag:s3] =	ssyncset.done $0x0  }
0xcb: {  	s1 =	rddreg [dreg:$0x6];
	[sflag:s3] =	ssyncadd.s32 $0xFFFFF9C0  }
0xcc: {  	[tilespmem:s9], [sflag:$0x3] =	stream.linear.gather [hbm4b:s1+s2], $0x20, $0x38;
	[tilespmem:$0x19E60] =	vst v63  }
0xcd: {  	_ =	swait.ge [sflag:s3], $0x20  }
0xce: {  	[sflag:s3] =	ssyncset.done $0x0;
	s11 =	rddreg [dreg:$0x9]  }
0xcf: {  	s0 =	rddreg [dreg:$0xa];
	[sflag:s3] =	ssyncadd.s32 $0xFFFFFFE0  }
0xd0: {  	[tilespmem:s4], [sflag:$0x1] =	stream.indirect.gather [hbm4b:s5+s10], $0x40, s2, s10, $0xb8;
	[tilespmem:$0x19E60] =	vst v63  }
0xd1: {  	s1 =	rddreg [dreg:$0xb]  }
0xd2: {  	[tilespmem:s11], [sflag:$0x1] =	stream.indirect.gather [hbm4b:s5+s10], $0x40, s10, s10, $0xb8;
	[tilespmem:$0x19E60] =	vst v63  }
0xd3: {  	s12 =	rddreg [dreg:$0xc]  }
0xd4: {  	[tilespmem:s1], [sflag:$0x1] =	stream.indirect.gather [hbm4b:s5+s10], $0x40, s0, s10, $0xb8;
	[tilespmem:$0x19E60] =	vst v63  }
0xd5: {  	s11 =	rddreg [dreg:$0xd]  }
0xd6: {  	[tilespmem:s11], [sflag:$0x1] =	stream.indirect.gather [hbm4b:s5+s10], $0x40, s12, s10, $0xb8;
	[tilespmem:$0x19E60] =	vst v63  }
0xd7: {  	s13 =	simm.s32 $0x8640;
	s12 =	simm.s32 $0x200  }
0xd8: {  	[tilespmem:s13], [sflag:$0x1] =	stream.indirect.gather [hbm4b:s5+s10], $0x40, s12, s10, $0xb8;
	[tilespmem:$0x19E60] =	vst v63  }
0xd9: {  	s13 =	simm.s32 $0x280  }
0xda: {  	[tilespmem:s14], [sflag:$0x1] =	stream.indirect.gather [hbm4b:s5+s10], $0x40, s13, s10, $0xb8;
	[tilespmem:$0x19E60] =	vst v63  }
0xdb: {  	_ = 	snop  }
0xdc: {  	[tilespmem:s16], [sflag:$0x1] =	stream.indirect.gather [hbm4b:s5+s10], $0x40, s15, s10, $0xb8;
	[tilespmem:$0x19E60] =	vst v63  }
0xdd: {  	_ = 	snop  }
0xde: {  	[tilespmem:s18], [sflag:$0x1] =	stream.indirect.gather [hbm4b:s5+s10], $0x40, s17, s10, $0xb8;
	[tilespmem:$0x19E60] =	vst v63  }
0xdf: {  	_ = 	snop  }
0xe0: {  	[tilespmem:s20], [sflag:$0x1] =	stream.indirect.gather [hbm4b:s5+s10], $0x40, s19, s10, $0xb8;
	[tilespmem:$0x19E60] =	vst v63  }
0xe1: {  	_ = 	snop  }
0xe2: {  	[tilespmem:s22], [sflag:$0x1] =	stream.indirect.gather [hbm4b:s5+s10], $0x40, s21, s10, $0xb8;
	[tilespmem:$0x19E60] =	vst v63  }
0xe3: {  	_ = 	snop  }
0xe4: {  	[tilespmem:s24], [sflag:$0x1] =	stream.indirect.gather [hbm4b:s5+s10], $0x40, s23, s10, $0xb8;
	[tilespmem:$0x19E60] =	vst v63  }
0xe5: {  	_ = 	snop  }
0xe6: {  	[tilespmem:s28], [sflag:$0x1] =	stream.indirect.gather [hbm4b:s5+s10], $0x40, s25, s10, $0xb8;
	[tilespmem:$0x19E60] =	vst v63  }
0xe7: {  	_ = 	snop  }
0xe8: {  	[tilespmem:s30], [sflag:$0x1] =	stream.indirect.gather [hbm4b:s5+s26], $0x40, s29, s26, $0xb8;
	[tilespmem:$0x19E60] =	vst v63  }
0xe9: {  	s28 =	rddreg [dreg:$0x4]  }
0xea: {  	[tilespmem:s6], [sflag:$0x2] =	stream.indirect.gather [hbm4b:s28+s31], $0x40, s9, s31, $0xb8;
	[tilespmem:$0x19E60] =	vst v63  }
0xeb: {  	_ =	swait.ge [sflag:s8], $0x2000  }
0xec: {  	[sflag:s8] =	ssyncset.done $0x0  }
0xed: {  	[sflag:s8] =	ssyncadd.s32 $0xFFFFE000  }
0xee: {  	_ =	swait.ge [sflag:s8], $0x2000  }
0xef: {  	[sflag:s8] =	ssyncset.done $0x0  }
0xf0: {  	[sflag:s8] =	ssyncadd.s32 $0xFFFFE000  }
0xf1: {  	_ =	swait.ge [sflag:s8], $0x2000  }
0xf2: {  	[sflag:s8] =	ssyncset.done $0x0  }
0xf3: {  	[sflag:s8] =	ssyncadd.s32 $0xFFFFE000  }
0xf4: {  	_ =	swait.ge [sflag:s8], $0x2000  }
0xf5: {  	[sflag:s8] =	ssyncset.done $0x0  }
0xf6: {  	[sflag:s8] =	ssyncadd.s32 $0xFFFFE000  }
0xf7: {  	_ =	swait.ge [sflag:s8], $0x2000  }
0xf8: {  	[sflag:s8] =	ssyncset.done $0x0  }
0xf9: {  	[sflag:s8] =	ssyncadd.s32 $0xFFFFE000  }
0xfa: {  	_ =	swait.ge [sflag:s8], $0x2000  }
0xfb: {  	[sflag:s8] =	ssyncset.done $0x0  }
0xfc: {  	[sflag:s8] =	ssyncadd.s32 $0xFFFFE000  }
0xfd: {  	_ =	swait.ge [sflag:s8], $0x2000  }
0xfe: {  	[sflag:s8] =	ssyncset.done $0x0  }
0xff: {  	[sflag:s8] =	ssyncadd.s32 $0xFFFFE000  }
0x100: {  	_ =	swait.ge [sflag:s8], $0x2000  }
0x101: {  	[sflag:s8] =	ssyncset.done $0x0  }
0x102: {  	[sflag:s8] =	ssyncadd.s32 $0xFFFFE000  }
0x103: {  	_ =	swait.ge [sflag:s8], $0x2000  }
0x104: {  	[sflag:s8] =	ssyncset.done $0x0  }
0x105: {  	[sflag:s8] =	ssyncadd.s32 $0xFFFFE000  }
0x106: {  	_ =	swait.ge [sflag:s8], $0x2000  }
0x107: {  	[sflag:s8] =	ssyncset.done $0x0  }
0x108: {  	[sflag:s8] =	ssyncadd.s32 $0xFFFFE000  }
0x109: {  	_ =	swait.ge [sflag:s8], $0x2000  }
0x10a: {  	[sflag:s8] =	ssyncset.done $0x0  }
0x10b: {  	[sflag:s8] =	ssyncadd.s32 $0xFFFFE000  }
0x10c: {  	_ =	swait.ge [sflag:s8], $0x2000  }
0x10d: {  	[sflag:s8] =	ssyncset.done $0x0  }
0x10e: {  	[sflag:s8] =	ssyncadd.s32 $0xFFFFE000  }
0x10f: {  	_ =	swait.ge [sflag:s8], $0x1000  }
0x110: {  	[sflag:s8] =	ssyncset.done $0x0  }
0x111: {  	[sflag:s8] =	ssyncadd.s32 $0xFFFFF000  }
0x112: {  	_ =	swait.ge [sflag:s7], $0x800  }
0x113: {  	[sflag:s7] =	ssyncset.done $0x0  }
0x114: {  	s29 =	rddreg [dreg:$0x7];
	[sflag:s7] =	ssyncadd.s32 $0xFFFFF800  }
0x115: {  	[hbm4b:s29+s2] =	stream.linear.scatter [tilespmem:s4], [sflag:$0x3], $0x19000, $0x38;
	[tilespmem:$0x19E60] =	vst v63  }
0x116: {  	_ =	swait.ge [sflag:s3], $0x19000  }
0x117: {  	[sflag:s3] =	ssyncset.done $0x0  }
0x118: {  	s30 =	rddreg [dreg:$0x8];
	[sflag:s3] =	ssyncadd.s32 $0xFFFE7000  }
0x119: {  	[hbm4b:s30+s2] =	stream.linear.scatter [tilespmem:s6], [sflag:$0x3], $0x800, $0x38;
	[tilespmem:$0x19E60] =	vst v63  }
0x11a: {  	_ =	swait.ge [sflag:s3], $0x800  }
0x11b: {  	[sflag:s3] =	ssyncset.done $0x0  }
0x11c: {  	[sflag:s3] =	ssyncadd.s32 $0xFFFFF800  }
0x11d: {  	_ =	sfence.sel $0x180000  }
0x11e: {  	[bflag:$0x0] =	sbarrier.arrive $0xFFFF  }
0x11f: {  	_ =	strace $0x90000047  }
0x120: {  	s31 =	stileid.u32;
	[bflag:$0x2] =	sbarrier.arrive $0xFFFF  }
0x121: {  	p0 =	sne.s32 s31, $0x0;
	s0 =	rddreg [dreg:$0x3]  }
0x122: {  	s0 =	sadd.s32 @!p0 $0x100000, s0  }
0x123: {  	[sflag:s0] =	ssyncadd.tile.s32 @!p0 $0x1;
	_ =	shalt  }
.Lfunc_end2:
_tile_overlayer_lowered:
.L_overlay_start_2:
0x124: {  	(tag) =	ssettag $0x2  }
0x125: {  	s0 =	rddreg [dreg:$0x0];
	s2 =	stileid.u32  }
0x126: {  	s1 =	rddreg [dreg:$0x1];
	p0 =	sne.s32 s2, $0x0  }
0x127: {  	s3 =	rddreg [dreg:$0x2];
	[bflag:$0x3] =	sbarrier.arrive $0xFFFF;
	s2 =	simm.s32 @!p0 $0x1C03  }
0x128: {  	[timem:s3], [sflag:s2] =	dma.local @!p0 [hbm:s0], s1  }
0x129: {  	s0 =	simm.s32 @!p0 $0x3  }
0x12a: {  	_ =	swait.ge @!p0 [sflag:s0], s1  }
0x12b: {  	s1 =	ssub.s32 @!p0 $0x0, s1;
	[sflag:s0] =	ssyncset.done @!p0 $0x0  }
0x12c: {  	[sflag:s0] =	ssyncadd.s32 @!p0 s1  }
0x12d: {  	[bflag:$0x3] =	sbarrier.arrive $0xFFFF  }
0x12e: {  	_ =	shalt  }

</sc_bundles>
